<compile_context>
chip_gen: v7x
topology: tpu7x:2x2x1
jax: 0.10.2.dev20260603
libtpu: 0.0.44.dev20260713+nightly
codegen_flags: <defaults>
</compile_context>

<pallas_src>
import functools

import jax
import jax.numpy as jnp
from jax import lax
from jax.experimental import pallas as pl
from jax.experimental.pallas import tpu as pltpu
from jax.experimental.pallas import tpu_sc as plsc

N = 10000
E = 320000
D = 128

NC = 2
NS = 16
NW = NC * NS
CHUNK = 128
STEPS = 79
EPW = E // NW
PADW = STEPS * CHUNK - EPW
NPAD = N + 8
RPS = 624

_mesh = plsc.VectorSubcoreMesh(
    core_axis_name="c", subcore_axis_name="s", num_cores=NC, num_subcores=NS
)


@functools.partial(
    pl.kernel,
    out_type=jax.ShapeDtypeStruct((NC, N, D), jnp.float32),
    mesh=_mesh,
    scratch_types=[
        pltpu.VMEM_SHARED((NPAD, D), jnp.float32),
        pltpu.VMEM((STEPS, CHUNK), jnp.int32),
        pltpu.VMEM((STEPS, CHUNK), jnp.int32),
        pltpu.VMEM((CHUNK, D), jnp.float32),
        pltpu.SemaphoreType.DMA,
    ],
)
def _sc_agg(h_hbm, src_hbm, dst_hbm, zer_hbm, out_hbm,
            agg_sh, src_v, dst_v, rows_v, gsem):
    c = lax.axis_index("c")
    s = lax.axis_index("s")
    wid = s * NC + c

    pltpu.sync_copy(src_hbm.at[wid], src_v)
    pltpu.sync_copy(dst_hbm.at[wid], dst_v)

    r0 = s * RPS

    @pl.when(jnp.logical_and(c == 0, s < NS - 1))
    def _():
        pltpu.sync_copy(h_hbm.at[pl.ds(r0, RPS)], agg_sh.at[pl.ds(r0, RPS)])

    @pl.when(jnp.logical_and(c == 0, s == NS - 1))
    def _():
        pltpu.sync_copy(h_hbm.at[pl.ds(9360, 640)], agg_sh.at[pl.ds(9360, 640)])
        pltpu.sync_copy(zer_hbm.at[pl.ds(N, 8)], agg_sh.at[pl.ds(N, 8)])

    @pl.when(jnp.logical_and(c != 0, s < NS - 1))
    def _():
        pltpu.sync_copy(zer_hbm.at[pl.ds(r0, RPS)], agg_sh.at[pl.ds(r0, RPS)])

    @pl.when(jnp.logical_and(c != 0, s == NS - 1))
    def _():
        pltpu.sync_copy(zer_hbm.at[pl.ds(9360, 648)], agg_sh.at[pl.ds(9360, 648)])

    plsc.subcore_barrier()

    def step(j, carry):
        pltpu.async_copy(h_hbm.at[src_v.at[j]], rows_v, gsem).wait()
        pltpu.sync_copy(rows_v, agg_sh.at[dst_v.at[j]], add=True)
        return carry

    lax.fori_loop(0, STEPS, step, 0)

    plsc.subcore_barrier()

    @pl.when(s < NS - 1)
    def _():
        pltpu.sync_copy(agg_sh.at[pl.ds(r0, RPS)], out_hbm.at[c, pl.ds(r0, RPS)])

    @pl.when(s == NS - 1)
    def _():
        pltpu.sync_copy(agg_sh.at[pl.ds(9360, 640)], out_hbm.at[c, pl.ds(9360, 640)])


def _mlp_body(p_ref, w_ref, b_ref, a_ref, o_ref):
    h = p_ref[0] + p_ref[1]
    z = jnp.dot(h, w_ref[:], preferred_element_type=jnp.float32) + b_ref[:]
    o_ref[:] = jnp.where(z >= 0.0, z, a_ref[:] * z)


_MB = 1000


def _tc_mlp(p, W, b2d, a2d):
    return pl.pallas_call(
        _mlp_body,
        grid=(N // _MB,),
        in_specs=[
            pl.BlockSpec((2, _MB, D), lambda i: (0, i, 0)),
            pl.BlockSpec((D, D), lambda i: (0, 0)),
            pl.BlockSpec((1, D), lambda i: (0, 0)),
            pl.BlockSpec((1, D), lambda i: (0, 0)),
        ],
        out_specs=pl.BlockSpec((_MB, D), lambda i: (i, 0)),
        out_shape=jax.ShapeDtypeStruct((N, D), jnp.float32),
    )(p, W, b2d, a2d)


def kernel(x, edge_index, W1, b1, a1, W2, b2, a2):
    src = edge_index[0].reshape(NW, EPW)
    dst = edge_index[1].reshape(NW, EPW)
    src_pad = jnp.zeros((NW, PADW), jnp.int32)
    dst_pad = jnp.broadcast_to(
        N + (jnp.arange(PADW, dtype=jnp.int32) % 8), (NW, PADW)
    )
    src_p = jnp.concatenate([src, src_pad], axis=1).reshape(NW, STEPS, CHUNK)
    dst_p = jnp.concatenate([dst, dst_pad], axis=1).reshape(NW, STEPS, CHUNK)
    zer = jnp.zeros((NPAD, D), jnp.float32)
    b1r = b1.reshape(1, D)
    b2r = b2.reshape(1, D)
    a1r = jnp.full((1, D), a1, jnp.float32)
    a2r = jnp.full((1, D), a2, jnp.float32)

    p1 = _sc_agg(x, src_p, dst_p, zer)
    h1 = _tc_mlp(p1, W1, b1r, a1r)
    p2 = _sc_agg(h1, src_p, dst_p, zer)
    h2 = _tc_mlp(p2, W2, b2r, a2r)
    return h2

# --- scband reference (transcript-rebuilt; emitter-appended) ---
"""Pipeline reference for scband-gconv-43404939493785 (READ-ONLY COPY).

The authoritative reference and input builder live on the scoring server;
editing this copy changes nothing except your own understanding.
"""

import jax, jax.numpy as jnp
import numpy as np

N = 10000
E = 320000
D = 128


def setup_inputs(seed: int = 0) -> dict:
    key = jax.random.key(seed)
    ks = jax.random.split(key, 8)
    x = jax.random.normal(ks[0], (N, D), dtype=jnp.float32)
    edge_index = jax.random.randint(ks[1], (2, E), 0, N, dtype=jnp.int32)
    scale = 1.0 / np.sqrt(D)
    W1 = jax.random.uniform(ks[2], (D, D), dtype=jnp.float32, minval=-scale, maxval=scale)
    b1 = jax.random.uniform(ks[3], (D,), dtype=jnp.float32, minval=-scale, maxval=scale)
    a1 = jnp.float32(0.25)
    W2 = jax.random.uniform(ks[4], (D, D), dtype=jnp.float32, minval=-scale, maxval=scale)
    b2 = jax.random.uniform(ks[5], (D,), dtype=jnp.float32, minval=-scale, maxval=scale)
    a2 = jnp.float32(0.25)
    return {"x": x, "edge_index": edge_index, "W1": W1, "b1": b1, "a1": a1,
            "W2": W2, "b2": b2, "a2": a2}


def reference(x, edge_index, W1, b1, a1, W2, b2, a2):
    # GConv with type='gin', num_layers=2, encode=False, concat_out=False.
    # Each layer: GINConv(nn.Sequential(Linear(D, D), PReLU())) with eps=0:
    #   h_i' = MLP( x_i + sum_{j in N(i)} x_j )
    # edge_index[0] = source nodes, edge_index[1] = destination nodes.
    src = edge_index[0]
    dst = edge_index[1]

    def gin_layer(h, W, b, a):
        msgs = jnp.take(h, src, axis=0)                      # gather  [E, D]
        agg = jax.ops.segment_sum(msgs, dst, num_segments=N) # scatter-add [N, D]
        z = (h + agg) @ W + b                                # Linear
        return jnp.where(z >= 0, z, a * z)                   # PReLU

    h1 = gin_layer(x, W1, b1, a1)
    h2 = gin_layer(h1, W2, b2, a2)
    return h2

if __name__ == "__main__":
    import jax
    _d = setup_inputs()
    print(jax.jit(kernel)(*tuple(_d.values())))

</pallas_src>

<mosaic_0001>
#map = affine_map<(d0, d1) -> (0, 0)>
#map1 = affine_map<(d0, d1) -> (0, 0, 0)>
module attributes {stable_mosaic.version = 14 : i64} {
  func.func @_sc_agg(%arg0: i32, %arg1: i32, %arg2: memref<10000x128xf32, #tpu.memory_space<hbm>>, %arg3: memref<32x79x128xi32, #tpu.memory_space<hbm>>, %arg4: memref<32x79x128xi32, #tpu.memory_space<hbm>>, %arg5: memref<10008x128xf32, #tpu.memory_space<hbm>>, %arg6: memref<2x10000x128xf32, #tpu.memory_space<hbm>>, %arg7: memref<10008x128xf32, #tpu.memory_space<vmem_shared>>, %arg8: memref<79x128xi32, #tpu.memory_space<vmem>>, %arg9: memref<79x128xi32, #tpu.memory_space<vmem>>, %arg10: memref<128x128xf32, #tpu.memory_space<vmem>>, %arg11: memref<!tpu.dma_semaphore, #tpu.memory_space<semaphore_mem>>) attributes {dimension_semantics = [#tpu.dimension_semantics<core_parallel>, #tpu.dimension_semantics<subcore_parallel>], iteration_bounds = array<i64: 2, 16>, scalar_prefetch = 0 : i64, scratch_operands = 5 : i64, tpu.core_type = #tpu.core_type<sc_vector_subcore>, window_params = [{transform_indices = #map}, {transform_indices = #map1}, {transform_indices = #map1}, {transform_indices = #map}, {transform_indices = #map1}]} {
    %mul3A = arith.constant 2 : i32
    %mul3A_0 = arith.muli %arg1, %mul3A : i32
    %add3A = arith.addi %mul3A_0, %arg0 : i32
    "tpu.region"() ({
      %run_scoped3A = tpu.sem_alloc : memref<!tpu.dma_semaphore, #tpu.memory_space<semaphore_mem>>
      %dma_start3A = arith.constant 0 : i32
      %dma_start3A_45 = arith.constant 0 : i32
      %dma_start3A_46 = tpu.memref_slice %arg3[%add3A, %dma_start3A, %dma_start3A_45] : memref<32x79x128xi32, #tpu.memory_space<hbm>> -> memref<1x79x128xi32, #tpu.memory_space<hbm>>
      %dma_start3A_47 = tpu.memref_squeeze %dma_start3A_46 : memref<1x79x128xi32, #tpu.memory_space<hbm>> -> memref<79x128xi32, #tpu.memory_space<hbm>>
      %dma_start3A_48 = arith.constant 0 : i32
      %dma_start3A_49 = arith.constant 0 : i32
      %dma_start3A_50 = tpu.memref_slice %arg3[%add3A, %dma_start3A_48, %dma_start3A_49] : memref<32x79x128xi32, #tpu.memory_space<hbm>> -> memref<1x79x128xi32, #tpu.memory_space<hbm>>
      %dma_start3A_51 = tpu.memref_squeeze %dma_start3A_50 : memref<1x79x128xi32, #tpu.memory_space<hbm>> -> memref<79x128xi32, #tpu.memory_space<hbm>>
      tpu.enqueue_dma source(%dma_start3A_51 : memref<79x128xi32, #tpu.memory_space<hbm>>) target(%arg8 : memref<79x128xi32, #tpu.memory_space<vmem>>) target_semaphore(%run_scoped3A : memref<!tpu.dma_semaphore, #tpu.memory_space<semaphore_mem>>)
      %dma_wait3A = arith.constant 0 : i32
      %dma_wait3A_52 = arith.constant 0 : i32
      %dma_wait3A_53 = tpu.memref_slice %arg3[%add3A, %dma_wait3A, %dma_wait3A_52] : memref<32x79x128xi32, #tpu.memory_space<hbm>> -> memref<1x79x128xi32, #tpu.memory_space<hbm>>
      %dma_wait3A_54 = tpu.memref_squeeze %dma_wait3A_53 : memref<1x79x128xi32, #tpu.memory_space<hbm>> -> memref<79x128xi32, #tpu.memory_space<hbm>>
      %dma_wait3A_55 = arith.constant 0 : i32
      %dma_wait3A_56 = arith.constant 0 : i32
      %dma_wait3A_57 = tpu.memref_slice %arg3[%add3A, %dma_wait3A_55, %dma_wait3A_56] : memref<32x79x128xi32, #tpu.memory_space<hbm>> -> memref<1x79x128xi32, #tpu.memory_space<hbm>>
      %dma_wait3A_58 = tpu.memref_squeeze %dma_wait3A_57 : memref<1x79x128xi32, #tpu.memory_space<hbm>> -> memref<79x128xi32, #tpu.memory_space<hbm>>
      tpu.wait_dma2 semaphore(%run_scoped3A : memref<!tpu.dma_semaphore, #tpu.memory_space<semaphore_mem>>) src(%dma_wait3A_58 : memref<79x128xi32, #tpu.memory_space<hbm>>) dst(%arg8 : memref<79x128xi32, #tpu.memory_space<vmem>>)
      tpu.yield
    }) : () -> ()
    "tpu.region"() ({
      %run_scoped3A = tpu.sem_alloc : memref<!tpu.dma_semaphore, #tpu.memory_space<semaphore_mem>>
      %dma_start3A = arith.constant 0 : i32
      %dma_start3A_45 = arith.constant 0 : i32
      %dma_start3A_46 = tpu.memref_slice %arg4[%add3A, %dma_start3A, %dma_start3A_45] : memref<32x79x128xi32, #tpu.memory_space<hbm>> -> memref<1x79x128xi32, #tpu.memory_space<hbm>>
      %dma_start3A_47 = tpu.memref_squeeze %dma_start3A_46 : memref<1x79x128xi32, #tpu.memory_space<hbm>> -> memref<79x128xi32, #tpu.memory_space<hbm>>
      %dma_start3A_48 = arith.constant 0 : i32
      %dma_start3A_49 = arith.constant 0 : i32
      %dma_start3A_50 = tpu.memref_slice %arg4[%add3A, %dma_start3A_48, %dma_start3A_49] : memref<32x79x128xi32, #tpu.memory_space<hbm>> -> memref<1x79x128xi32, #tpu.memory_space<hbm>>
      %dma_start3A_51 = tpu.memref_squeeze %dma_start3A_50 : memref<1x79x128xi32, #tpu.memory_space<hbm>> -> memref<79x128xi32, #tpu.memory_space<hbm>>
      tpu.enqueue_dma source(%dma_start3A_51 : memref<79x128xi32, #tpu.memory_space<hbm>>) target(%arg9 : memref<79x128xi32, #tpu.memory_space<vmem>>) target_semaphore(%run_scoped3A : memref<!tpu.dma_semaphore, #tpu.memory_space<semaphore_mem>>)
      %dma_wait3A = arith.constant 0 : i32
      %dma_wait3A_52 = arith.constant 0 : i32
      %dma_wait3A_53 = tpu.memref_slice %arg4[%add3A, %dma_wait3A, %dma_wait3A_52] : memref<32x79x128xi32, #tpu.memory_space<hbm>> -> memref<1x79x128xi32, #tpu.memory_space<hbm>>
      %dma_wait3A_54 = tpu.memref_squeeze %dma_wait3A_53 : memref<1x79x128xi32, #tpu.memory_space<hbm>> -> memref<79x128xi32, #tpu.memory_space<hbm>>
      %dma_wait3A_55 = arith.constant 0 : i32
      %dma_wait3A_56 = arith.constant 0 : i32
      %dma_wait3A_57 = tpu.memref_slice %arg4[%add3A, %dma_wait3A_55, %dma_wait3A_56] : memref<32x79x128xi32, #tpu.memory_space<hbm>> -> memref<1x79x128xi32, #tpu.memory_space<hbm>>
      %dma_wait3A_58 = tpu.memref_squeeze %dma_wait3A_57 : memref<1x79x128xi32, #tpu.memory_space<hbm>> -> memref<79x128xi32, #tpu.memory_space<hbm>>
      tpu.wait_dma2 semaphore(%run_scoped3A : memref<!tpu.dma_semaphore, #tpu.memory_space<semaphore_mem>>) src(%dma_wait3A_58 : memref<79x128xi32, #tpu.memory_space<hbm>>) dst(%arg9 : memref<79x128xi32, #tpu.memory_space<vmem>>)
      tpu.yield
    }) : () -> ()
    %mul3A_1 = arith.constant 624 : i32
    %mul3A_2 = arith.muli %arg1, %mul3A_1 : i32
    %eq3A = arith.constant 0 : i32
    %eq3A_3 = arith.cmpi eq, %arg0, %eq3A : i32
    %lt3A = arith.constant 15 : i32
    %lt3A_4 = arith.cmpi slt, %arg1, %lt3A : i32
    %and3A = arith.andi %eq3A_3, %lt3A_4 : i1
    %convert_element_type3A = arith.extui %and3A : i1 to i32
    %cond3A = arith.constant 0 : i32
    %cond3A_5 = arith.cmpi ne, %convert_element_type3A, %cond3A : i32
    scf.if %cond3A_5 {
      "tpu.region"() ({
        %run_scoped3A = tpu.sem_alloc : memref<!tpu.dma_semaphore, #tpu.memory_space<semaphore_mem>>
        %dma_start3A = arith.constant 0 : i32
        %dma_start3A_45 = tpu.memref_slice %arg7[%mul3A_2, %dma_start3A] : memref<10008x128xf32, #tpu.memory_space<vmem_shared>> -> memref<624x128xf32, #tpu.memory_space<vmem_shared>>
        %dma_start3A_46 = arith.constant 0 : i32
        %dma_start3A_47 = tpu.memref_slice %arg2[%mul3A_2, %dma_start3A_46] : memref<10000x128xf32, #tpu.memory_space<hbm>> -> memref<624x128xf32, #tpu.memory_space<hbm>>
        tpu.enqueue_dma source(%dma_start3A_47 : memref<624x128xf32, #tpu.memory_space<hbm>>) target(%dma_start3A_45 : memref<624x128xf32, #tpu.memory_space<vmem_shared>>) target_semaphore(%run_scoped3A : memref<!tpu.dma_semaphore, #tpu.memory_space<semaphore_mem>>)
        %dma_wait3A = arith.constant 0 : i32
        %dma_wait3A_48 = tpu.memref_slice %arg7[%mul3A_2, %dma_wait3A] : memref<10008x128xf32, #tpu.memory_space<vmem_shared>> -> memref<624x128xf32, #tpu.memory_space<vmem_shared>>
        %dma_wait3A_49 = arith.constant 0 : i32
        %dma_wait3A_50 = tpu.memref_slice %arg2[%mul3A_2, %dma_wait3A_49] : memref<10000x128xf32, #tpu.memory_space<hbm>> -> memref<624x128xf32, #tpu.memory_space<hbm>>
        tpu.wait_dma2 semaphore(%run_scoped3A : memref<!tpu.dma_semaphore, #tpu.memory_space<semaphore_mem>>) src(%dma_wait3A_50 : memref<624x128xf32, #tpu.memory_space<hbm>>) dst(%dma_wait3A_48 : memref<624x128xf32, #tpu.memory_space<vmem_shared>>)
        tpu.yield
      }) : () -> ()
    } else {
    }
    %eq3A_6 = arith.constant 0 : i32
    %eq3A_7 = arith.cmpi eq, %arg0, %eq3A_6 : i32
    %eq3A_8 = arith.constant 15 : i32
    %eq3A_9 = arith.cmpi eq, %arg1, %eq3A_8 : i32
    %and3A_10 = arith.andi %eq3A_7, %eq3A_9 : i1
    %convert_element_type3A_11 = arith.extui %and3A_10 : i1 to i32
    %cond3A_12 = arith.constant 0 : i32
    %cond3A_13 = arith.cmpi ne, %convert_element_type3A_11, %cond3A_12 : i32
    scf.if %cond3A_13 {
      "tpu.region"() ({
        %run_scoped3A = tpu.sem_alloc : memref<!tpu.dma_semaphore, #tpu.memory_space<semaphore_mem>>
        %dma_start3A = arith.constant 9360 : i32
        %dma_start3A_45 = arith.constant 0 : i32
        %dma_start3A_46 = tpu.memref_slice %arg7[%dma_start3A, %dma_start3A_45] : memref<10008x128xf32, #tpu.memory_space<vmem_shared>> -> memref<640x128xf32, #tpu.memory_space<vmem_shared>>
        %dma_start3A_47 = arith.constant 9360 : i32
        %dma_start3A_48 = arith.constant 0 : i32
        %dma_start3A_49 = tpu.memref_slice %arg2[%dma_start3A_47, %dma_start3A_48] : memref<10000x128xf32, #tpu.memory_space<hbm>> -> memref<640x128xf32, #tpu.memory_space<hbm>>
        tpu.enqueue_dma source(%dma_start3A_49 : memref<640x128xf32, #tpu.memory_space<hbm>>) target(%dma_start3A_46 : memref<640x128xf32, #tpu.memory_space<vmem_shared>>) target_semaphore(%run_scoped3A : memref<!tpu.dma_semaphore, #tpu.memory_space<semaphore_mem>>)
        %dma_wait3A = arith.constant 9360 : i32
        %dma_wait3A_50 = arith.constant 0 : i32
        %dma_wait3A_51 = tpu.memref_slice %arg7[%dma_wait3A, %dma_wait3A_50] : memref<10008x128xf32, #tpu.memory_space<vmem_shared>> -> memref<640x128xf32, #tpu.memory_space<vmem_shared>>
        %dma_wait3A_52 = arith.constant 9360 : i32
        %dma_wait3A_53 = arith.constant 0 : i32
        %dma_wait3A_54 = tpu.memref_slice %arg2[%dma_wait3A_52, %dma_wait3A_53] : memref<10000x128xf32, #tpu.memory_space<hbm>> -> memref<640x128xf32, #tpu.memory_space<hbm>>
        tpu.wait_dma2 semaphore(%run_scoped3A : memref<!tpu.dma_semaphore, #tpu.memory_space<semaphore_mem>>) src(%dma_wait3A_54 : memref<640x128xf32, #tpu.memory_space<hbm>>) dst(%dma_wait3A_51 : memref<640x128xf32, #tpu.memory_space<vmem_shared>>)
        tpu.yield
      }) : () -> ()
      "tpu.region"() ({
        %run_scoped3A = tpu.sem_alloc : memref<!tpu.dma_semaphore, #tpu.memory_space<semaphore_mem>>
        %dma_start3A = arith.constant 10000 : i32
        %dma_start3A_45 = arith.constant 0 : i32
        %dma_start3A_46 = tpu.memref_slice %arg7[%dma_start3A, %dma_start3A_45] : memref<10008x128xf32, #tpu.memory_space<vmem_shared>> -> memref<8x128xf32, #tpu.memory_space<vmem_shared>>
        %dma_start3A_47 = arith.constant 10000 : i32
        %dma_start3A_48 = arith.constant 0 : i32
        %dma_start3A_49 = tpu.memref_slice %arg5[%dma_start3A_47, %dma_start3A_48] : memref<10008x128xf32, #tpu.memory_space<hbm>> -> memref<8x128xf32, #tpu.memory_space<hbm>>
        tpu.enqueue_dma source(%dma_start3A_49 : memref<8x128xf32, #tpu.memory_space<hbm>>) target(%dma_start3A_46 : memref<8x128xf32, #tpu.memory_space<vmem_shared>>) target_semaphore(%run_scoped3A : memref<!tpu.dma_semaphore, #tpu.memory_space<semaphore_mem>>)
        %dma_wait3A = arith.constant 10000 : i32
        %dma_wait3A_50 = arith.constant 0 : i32
        %dma_wait3A_51 = tpu.memref_slice %arg7[%dma_wait3A, %dma_wait3A_50] : memref<10008x128xf32, #tpu.memory_space<vmem_shared>> -> memref<8x128xf32, #tpu.memory_space<vmem_shared>>
        %dma_wait3A_52 = arith.constant 10000 : i32
        %dma_wait3A_53 = arith.constant 0 : i32
        %dma_wait3A_54 = tpu.memref_slice %arg5[%dma_wait3A_52, %dma_wait3A_53] : memref<10008x128xf32, #tpu.memory_space<hbm>> -> memref<8x128xf32, #tpu.memory_space<hbm>>
        tpu.wait_dma2 semaphore(%run_scoped3A : memref<!tpu.dma_semaphore, #tpu.memory_space<semaphore_mem>>) src(%dma_wait3A_54 : memref<8x128xf32, #tpu.memory_space<hbm>>) dst(%dma_wait3A_51 : memref<8x128xf32, #tpu.memory_space<vmem_shared>>)
        tpu.yield
      }) : () -> ()
    } else {
    }
    %ne3A = arith.constant 0 : i32
    %ne3A_14 = arith.cmpi ne, %arg0, %ne3A : i32
    %lt3A_15 = arith.constant 15 : i32
    %lt3A_16 = arith.cmpi slt, %arg1, %lt3A_15 : i32
    %and3A_17 = arith.andi %ne3A_14, %lt3A_16 : i1
    %convert_element_type3A_18 = arith.extui %and3A_17 : i1 to i32
    %cond3A_19 = arith.constant 0 : i32
    %cond3A_20 = arith.cmpi ne, %convert_element_type3A_18, %cond3A_19 : i32
    scf.if %cond3A_20 {
      "tpu.region"() ({
        %run_scoped3A = tpu.sem_alloc : memref<!tpu.dma_semaphore, #tpu.memory_space<semaphore_mem>>
        %dma_start3A = arith.constant 0 : i32
        %dma_start3A_45 = tpu.memref_slice %arg7[%mul3A_2, %dma_start3A] : memref<10008x128xf32, #tpu.memory_space<vmem_shared>> -> memref<624x128xf32, #tpu.memory_space<vmem_shared>>
        %dma_start3A_46 = arith.constant 0 : i32
        %dma_start3A_47 = tpu.memref_slice %arg5[%mul3A_2, %dma_start3A_46] : memref<10008x128xf32, #tpu.memory_space<hbm>> -> memref<624x128xf32, #tpu.memory_space<hbm>>
        tpu.enqueue_dma source(%dma_start3A_47 : memref<624x128xf32, #tpu.memory_space<hbm>>) target(%dma_start3A_45 : memref<624x128xf32, #tpu.memory_space<vmem_shared>>) target_semaphore(%run_scoped3A : memref<!tpu.dma_semaphore, #tpu.memory_space<semaphore_mem>>)
        %dma_wait3A = arith.constant 0 : i32
        %dma_wait3A_48 = tpu.memref_slice %arg7[%mul3A_2, %dma_wait3A] : memref<10008x128xf32, #tpu.memory_space<vmem_shared>> -> memref<624x128xf32, #tpu.memory_space<vmem_shared>>
        %dma_wait3A_49 = arith.constant 0 : i32
        %dma_wait3A_50 = tpu.memref_slice %arg5[%mul3A_2, %dma_wait3A_49] : memref<10008x128xf32, #tpu.memory_space<hbm>> -> memref<624x128xf32, #tpu.memory_space<hbm>>
        tpu.wait_dma2 semaphore(%run_scoped3A : memref<!tpu.dma_semaphore, #tpu.memory_space<semaphore_mem>>) src(%dma_wait3A_50 : memref<624x128xf32, #tpu.memory_space<hbm>>) dst(%dma_wait3A_48 : memref<624x128xf32, #tpu.memory_space<vmem_shared>>)
        tpu.yield
      }) : () -> ()
    } else {
    }
    %ne3A_21 = arith.constant 0 : i32
    %ne3A_22 = arith.cmpi ne, %arg0, %ne3A_21 : i32
    %eq3A_23 = arith.constant 15 : i32
    %eq3A_24 = arith.cmpi eq, %arg1, %eq3A_23 : i32
    %and3A_25 = arith.andi %ne3A_22, %eq3A_24 : i1
    %convert_element_type3A_26 = arith.extui %and3A_25 : i1 to i32
    %cond3A_27 = arith.constant 0 : i32
    %cond3A_28 = arith.cmpi ne, %convert_element_type3A_26, %cond3A_27 : i32
    scf.if %cond3A_28 {
      "tpu.region"() ({
        %run_scoped3A = tpu.sem_alloc : memref<!tpu.dma_semaphore, #tpu.memory_space<semaphore_mem>>
        %dma_start3A = arith.constant 9360 : i32
        %dma_start3A_45 = arith.constant 0 : i32
        %dma_start3A_46 = tpu.memref_slice %arg7[%dma_start3A, %dma_start3A_45] : memref<10008x128xf32, #tpu.memory_space<vmem_shared>> -> memref<648x128xf32, #tpu.memory_space<vmem_shared>>
        %dma_start3A_47 = arith.constant 9360 : i32
        %dma_start3A_48 = arith.constant 0 : i32
        %dma_start3A_49 = tpu.memref_slice %arg5[%dma_start3A_47, %dma_start3A_48] : memref<10008x128xf32, #tpu.memory_space<hbm>> -> memref<648x128xf32, #tpu.memory_space<hbm>>
        tpu.enqueue_dma source(%dma_start3A_49 : memref<648x128xf32, #tpu.memory_space<hbm>>) target(%dma_start3A_46 : memref<648x128xf32, #tpu.memory_space<vmem_shared>>) target_semaphore(%run_scoped3A : memref<!tpu.dma_semaphore, #tpu.memory_space<semaphore_mem>>)
        %dma_wait3A = arith.constant 9360 : i32
        %dma_wait3A_50 = arith.constant 0 : i32
        %dma_wait3A_51 = tpu.memref_slice %arg7[%dma_wait3A, %dma_wait3A_50] : memref<10008x128xf32, #tpu.memory_space<vmem_shared>> -> memref<648x128xf32, #tpu.memory_space<vmem_shared>>
        %dma_wait3A_52 = arith.constant 9360 : i32
        %dma_wait3A_53 = arith.constant 0 : i32
        %dma_wait3A_54 = tpu.memref_slice %arg5[%dma_wait3A_52, %dma_wait3A_53] : memref<10008x128xf32, #tpu.memory_space<hbm>> -> memref<648x128xf32, #tpu.memory_space<hbm>>
        tpu.wait_dma2 semaphore(%run_scoped3A : memref<!tpu.dma_semaphore, #tpu.memory_space<semaphore_mem>>) src(%dma_wait3A_54 : memref<648x128xf32, #tpu.memory_space<hbm>>) dst(%dma_wait3A_51 : memref<648x128xf32, #tpu.memory_space<vmem_shared>>)
        tpu.yield
      }) : () -> ()
    } else {
    }
    %barrier3A = arith.constant 0 : index
    tpu.barrier barrier_id(%barrier3A)
    %scan3A = arith.constant 0 : i32
    %scan3A_29 = arith.constant 0 : i32
    %scan3A_30 = arith.constant 79 : i32
    %scan3A_31 = arith.addi %scan3A_29, %scan3A_30 : i32
    %scan3A_32 = arith.constant 1 : i32
    scf.for %scan3A_45 = %scan3A_29 to %scan3A_31 step %scan3A_32  : i32 {
      %dma_start3A = arith.constant 0 : i32
      %dma_start3A_46 = tpu.memref_slice %arg8[%scan3A_45, %dma_start3A] : memref<79x128xi32, #tpu.memory_space<vmem>> -> memref<1x128xi32, #tpu.memory_space<vmem>>
      %dma_start3A_47 = tpu.memref_squeeze %dma_start3A_46 : memref<1x128xi32, #tpu.memory_space<vmem>> -> memref<128xi32, #tpu.memory_space<vmem>>
      %dma_start3A_48 = arith.constant 0 : i32
      %dma_start3A_49 = arith.constant 0 : i32
      %dma_start3A_50 = tpu.memref_slice %arg2[%dma_start3A_48, %dma_start3A_49] : memref<10000x128xf32, #tpu.memory_space<hbm>> -> memref<10000x128xf32, #tpu.memory_space<hbm>>
      tpu.enqueue_indirect_dma source(%dma_start3A_50 : memref<10000x128xf32, #tpu.memory_space<hbm>>) target(%arg10 : memref<128x128xf32, #tpu.memory_space<vmem>>) offsets(%dma_start3A_47 : memref<128xi32, #tpu.memory_space<vmem>>) semaphore(%arg11 : memref<!tpu.dma_semaphore, #tpu.memory_space<semaphore_mem>>)
      %dma_wait3A = arith.constant 0 : i32
      %dma_wait3A_51 = tpu.memref_slice %arg8[%scan3A_45, %dma_wait3A] : memref<79x128xi32, #tpu.memory_space<vmem>> -> memref<1x128xi32, #tpu.memory_space<vmem>>
      %dma_wait3A_52 = tpu.memref_squeeze %dma_wait3A_51 : memref<1x128xi32, #tpu.memory_space<vmem>> -> memref<128xi32, #tpu.memory_space<vmem>>
      %dma_wait3A_53 = arith.constant 0 : i32
      %dma_wait3A_54 = arith.constant 0 : i32
      %dma_wait3A_55 = tpu.memref_slice %arg2[%dma_wait3A_53, %dma_wait3A_54] : memref<10000x128xf32, #tpu.memory_space<hbm>> -> memref<10000x128xf32, #tpu.memory_space<hbm>>
      tpu.wait_indirect_dma semaphore(%arg11 : memref<!tpu.dma_semaphore, #tpu.memory_space<semaphore_mem>>) src(%dma_wait3A_55 : memref<10000x128xf32, #tpu.memory_space<hbm>>) dst(%arg10 : memref<128x128xf32, #tpu.memory_space<vmem>>)
      "tpu.region"() ({
        %run_scoped3A = tpu.sem_alloc : memref<!tpu.dma_semaphore, #tpu.memory_space<semaphore_mem>>
        %dma_start3A_56 = arith.constant 0 : i32
        %dma_start3A_57 = tpu.memref_slice %arg9[%scan3A_45, %dma_start3A_56] : memref<79x128xi32, #tpu.memory_space<vmem>> -> memref<1x128xi32, #tpu.memory_space<vmem>>
        %dma_start3A_58 = tpu.memref_squeeze %dma_start3A_57 : memref<1x128xi32, #tpu.memory_space<vmem>> -> memref<128xi32, #tpu.memory_space<vmem>>
        %dma_start3A_59 = arith.constant 0 : i32
        %dma_start3A_60 = arith.constant 0 : i32
        %dma_start3A_61 = tpu.memref_slice %arg7[%dma_start3A_59, %dma_start3A_60] : memref<10008x128xf32, #tpu.memory_space<vmem_shared>> -> memref<10008x128xf32, #tpu.memory_space<vmem_shared>>
        tpu.enqueue_indirect_dma source(%arg10 : memref<128x128xf32, #tpu.memory_space<vmem>>) target(%dma_start3A_61 : memref<10008x128xf32, #tpu.memory_space<vmem_shared>>) offsets(%dma_start3A_58 : memref<128xi32, #tpu.memory_space<vmem>>) semaphore(%run_scoped3A : memref<!tpu.dma_semaphore, #tpu.memory_space<semaphore_mem>>) {add = true}
        %dma_wait3A_62 = arith.constant 0 : i32
        %dma_wait3A_63 = tpu.memref_slice %arg9[%scan3A_45, %dma_wait3A_62] : memref<79x128xi32, #tpu.memory_space<vmem>> -> memref<1x128xi32, #tpu.memory_space<vmem>>
        %dma_wait3A_64 = tpu.memref_squeeze %dma_wait3A_63 : memref<1x128xi32, #tpu.memory_space<vmem>> -> memref<128xi32, #tpu.memory_space<vmem>>
        %dma_wait3A_65 = arith.constant 0 : i32
        %dma_wait3A_66 = arith.constant 0 : i32
        %dma_wait3A_67 = tpu.memref_slice %arg7[%dma_wait3A_65, %dma_wait3A_66] : memref<10008x128xf32, #tpu.memory_space<vmem_shared>> -> memref<10008x128xf32, #tpu.memory_space<vmem_shared>>
        tpu.wait_indirect_dma semaphore(%run_scoped3A : memref<!tpu.dma_semaphore, #tpu.memory_space<semaphore_mem>>) src(%arg10 : memref<128x128xf32, #tpu.memory_space<vmem>>) dst(%dma_wait3A_67 : memref<10008x128xf32, #tpu.memory_space<vmem_shared>>)
        tpu.yield
      }) : () -> ()
    }
    %scan3A_33 = arith.constant 79 : i32
    %barrier3A_34 = arith.constant 0 : index
    tpu.barrier barrier_id(%barrier3A_34)
    %lt3A_35 = arith.constant 15 : i32
    %lt3A_36 = arith.cmpi slt, %arg1, %lt3A_35 : i32
    %convert_element_type3A_37 = arith.extui %lt3A_36 : i1 to i32
    %cond3A_38 = arith.constant 0 : i32
    %cond3A_39 = arith.cmpi ne, %convert_element_type3A_37, %cond3A_38 : i32
    scf.if %cond3A_39 {
      "tpu.region"() ({
        %run_scoped3A = tpu.sem_alloc : memref<!tpu.dma_semaphore, #tpu.memory_space<semaphore_mem>>
        %dma_start3A = arith.constant 0 : i32
        %dma_start3A_45 = tpu.memref_slice %arg6[%arg0, %mul3A_2, %dma_start3A] : memref<2x10000x128xf32, #tpu.memory_space<hbm>> -> memref<1x624x128xf32, #tpu.memory_space<hbm>>
        %dma_start3A_46 = tpu.memref_squeeze %dma_start3A_45 : memref<1x624x128xf32, #tpu.memory_space<hbm>> -> memref<624x128xf32, #tpu.memory_space<hbm>>
        %dma_start3A_47 = arith.constant 0 : i32
        %dma_start3A_48 = tpu.memref_slice %arg7[%mul3A_2, %dma_start3A_47] : memref<10008x128xf32, #tpu.memory_space<vmem_shared>> -> memref<624x128xf32, #tpu.memory_space<vmem_shared>>
        tpu.enqueue_dma source(%dma_start3A_48 : memref<624x128xf32, #tpu.memory_space<vmem_shared>>) target(%dma_start3A_46 : memref<624x128xf32, #tpu.memory_space<hbm>>) target_semaphore(%run_scoped3A : memref<!tpu.dma_semaphore, #tpu.memory_space<semaphore_mem>>)
        %dma_wait3A = arith.constant 0 : i32
        %dma_wait3A_49 = tpu.memref_slice %arg6[%arg0, %mul3A_2, %dma_wait3A] : memref<2x10000x128xf32, #tpu.memory_space<hbm>> -> memref<1x624x128xf32, #tpu.memory_space<hbm>>
        %dma_wait3A_50 = tpu.memref_squeeze %dma_wait3A_49 : memref<1x624x128xf32, #tpu.memory_space<hbm>> -> memref<624x128xf32, #tpu.memory_space<hbm>>
        %dma_wait3A_51 = arith.constant 0 : i32
        %dma_wait3A_52 = tpu.memref_slice %arg7[%mul3A_2, %dma_wait3A_51] : memref<10008x128xf32, #tpu.memory_space<vmem_shared>> -> memref<624x128xf32, #tpu.memory_space<vmem_shared>>
        tpu.wait_dma2 semaphore(%run_scoped3A : memref<!tpu.dma_semaphore, #tpu.memory_space<semaphore_mem>>) src(%dma_wait3A_52 : memref<624x128xf32, #tpu.memory_space<vmem_shared>>) dst(%dma_wait3A_50 : memref<624x128xf32, #tpu.memory_space<hbm>>)
        tpu.yield
      }) : () -> ()
    } else {
    }
    %eq3A_40 = arith.constant 15 : i32
    %eq3A_41 = arith.cmpi eq, %arg1, %eq3A_40 : i32
    %convert_element_type3A_42 = arith.extui %eq3A_41 : i1 to i32
    %cond3A_43 = arith.constant 0 : i32
    %cond3A_44 = arith.cmpi ne, %convert_element_type3A_42, %cond3A_43 : i32
    scf.if %cond3A_44 {
      "tpu.region"() ({
        %run_scoped3A = tpu.sem_alloc : memref<!tpu.dma_semaphore, #tpu.memory_space<semaphore_mem>>
        %dma_start3A = arith.constant 9360 : i32
        %dma_start3A_45 = arith.constant 0 : i32
        %dma_start3A_46 = tpu.memref_slice %arg6[%arg0, %dma_start3A, %dma_start3A_45] : memref<2x10000x128xf32, #tpu.memory_space<hbm>> -> memref<1x640x128xf32, #tpu.memory_space<hbm>>
        %dma_start3A_47 = tpu.memref_squeeze %dma_start3A_46 : memref<1x640x128xf32, #tpu.memory_space<hbm>> -> memref<640x128xf32, #tpu.memory_space<hbm>>
        %dma_start3A_48 = arith.constant 9360 : i32
        %dma_start3A_49 = arith.constant 0 : i32
        %dma_start3A_50 = tpu.memref_slice %arg7[%dma_start3A_48, %dma_start3A_49] : memref<10008x128xf32, #tpu.memory_space<vmem_shared>> -> memref<640x128xf32, #tpu.memory_space<vmem_shared>>
        tpu.enqueue_dma source(%dma_start3A_50 : memref<640x128xf32, #tpu.memory_space<vmem_shared>>) target(%dma_start3A_47 : memref<640x128xf32, #tpu.memory_space<hbm>>) target_semaphore(%run_scoped3A : memref<!tpu.dma_semaphore, #tpu.memory_space<semaphore_mem>>)
        %dma_wait3A = arith.constant 9360 : i32
        %dma_wait3A_51 = arith.constant 0 : i32
        %dma_wait3A_52 = tpu.memref_slice %arg6[%arg0, %dma_wait3A, %dma_wait3A_51] : memref<2x10000x128xf32, #tpu.memory_space<hbm>> -> memref<1x640x128xf32, #tpu.memory_space<hbm>>
        %dma_wait3A_53 = tpu.memref_squeeze %dma_wait3A_52 : memref<1x640x128xf32, #tpu.memory_space<hbm>> -> memref<640x128xf32, #tpu.memory_space<hbm>>
        %dma_wait3A_54 = arith.constant 9360 : i32
        %dma_wait3A_55 = arith.constant 0 : i32
        %dma_wait3A_56 = tpu.memref_slice %arg7[%dma_wait3A_54, %dma_wait3A_55] : memref<10008x128xf32, #tpu.memory_space<vmem_shared>> -> memref<640x128xf32, #tpu.memory_space<vmem_shared>>
        tpu.wait_dma2 semaphore(%run_scoped3A : memref<!tpu.dma_semaphore, #tpu.memory_space<semaphore_mem>>) src(%dma_wait3A_56 : memref<640x128xf32, #tpu.memory_space<vmem_shared>>) dst(%dma_wait3A_53 : memref<640x128xf32, #tpu.memory_space<hbm>>)
        tpu.yield
      }) : () -> ()
    } else {
    }
    return
  }
}

#map = affine_map<(d0, d1) -> (0, 0)>
#map1 = affine_map<(d0, d1) -> (0, 0, 0)>
module attributes {stable_mosaic.version = 14 : i64} {
  func.func @_sc_agg(%arg0: i32, %arg1: i32, %arg2: memref<10000x128xf32, #tpu.memory_space<hbm>>, %arg3: memref<32x79x128xi32, #tpu.memory_space<hbm>>, %arg4: memref<32x79x128xi32, #tpu.memory_space<hbm>>, %arg5: memref<10008x128xf32, #tpu.memory_space<hbm>>, %arg6: memref<2x10000x128xf32, #tpu.memory_space<hbm>>, %arg7: memref<10008x128xf32, #tpu.memory_space<vmem_shared>>, %arg8: memref<79x128xi32, #tpu.memory_space<vmem>>, %arg9: memref<79x128xi32, #tpu.memory_space<vmem>>, %arg10: memref<128x128xf32, #tpu.memory_space<vmem>>, %arg11: memref<!tpu.dma_semaphore, #tpu.memory_space<semaphore_mem>>) attributes {dimension_semantics = [#tpu.dimension_semantics<core_parallel>, #tpu.dimension_semantics<subcore_parallel>], iteration_bounds = array<i64: 2, 16>, scalar_prefetch = 0 : i64, scratch_operands = 5 : i64, tpu.core_type = #tpu.core_type<sc_vector_subcore>, window_params = [{transform_indices = #map}, {transform_indices = #map1}, {transform_indices = #map1}, {transform_indices = #map}, {transform_indices = #map1}]} {
    %mul3A = arith.constant 2 : i32
    %mul3A_0 = arith.muli %arg1, %mul3A : i32
    %add3A = arith.addi %mul3A_0, %arg0 : i32
    "tpu.region"() ({
      %run_scoped3A = tpu.sem_alloc : memref<!tpu.dma_semaphore, #tpu.memory_space<semaphore_mem>>
      %dma_start3A = arith.constant 0 : i32
      %dma_start3A_45 = arith.constant 0 : i32
      %dma_start3A_46 = tpu.memref_slice %arg3[%add3A, %dma_start3A, %dma_start3A_45] : memref<32x79x128xi32, #tpu.memory_space<hbm>> -> memref<1x79x128xi32, #tpu.memory_space<hbm>>
      %dma_start3A_47 = tpu.memref_squeeze %dma_start3A_46 : memref<1x79x128xi32, #tpu.memory_space<hbm>> -> memref<79x128xi32, #tpu.memory_space<hbm>>
      %dma_start3A_48 = arith.constant 0 : i32
      %dma_start3A_49 = arith.constant 0 : i32
      %dma_start3A_50 = tpu.memref_slice %arg3[%add3A, %dma_start3A_48, %dma_start3A_49] : memref<32x79x128xi32, #tpu.memory_space<hbm>> -> memref<1x79x128xi32, #tpu.memory_space<hbm>>
      %dma_start3A_51 = tpu.memref_squeeze %dma_start3A_50 : memref<1x79x128xi32, #tpu.memory_space<hbm>> -> memref<79x128xi32, #tpu.memory_space<hbm>>
      tpu.enqueue_dma source(%dma_start3A_51 : memref<79x128xi32, #tpu.memory_space<hbm>>) target(%arg8 : memref<79x128xi32, #tpu.memory_space<vmem>>) target_semaphore(%run_scoped3A : memref<!tpu.dma_semaphore, #tpu.memory_space<semaphore_mem>>)
      %dma_wait3A = arith.constant 0 : i32
      %dma_wait3A_52 = arith.constant 0 : i32
      %dma_wait3A_53 = tpu.memref_slice %arg3[%add3A, %dma_wait3A, %dma_wait3A_52] : memref<32x79x128xi32, #tpu.memory_space<hbm>> -> memref<1x79x128xi32, #tpu.memory_space<hbm>>
      %dma_wait3A_54 = tpu.memref_squeeze %dma_wait3A_53 : memref<1x79x128xi32, #tpu.memory_space<hbm>> -> memref<79x128xi32, #tpu.memory_space<hbm>>
      %dma_wait3A_55 = arith.constant 0 : i32
      %dma_wait3A_56 = arith.constant 0 : i32
      %dma_wait3A_57 = tpu.memref_slice %arg3[%add3A, %dma_wait3A_55, %dma_wait3A_56] : memref<32x79x128xi32, #tpu.memory_space<hbm>> -> memref<1x79x128xi32, #tpu.memory_space<hbm>>
      %dma_wait3A_58 = tpu.memref_squeeze %dma_wait3A_57 : memref<1x79x128xi32, #tpu.memory_space<hbm>> -> memref<79x128xi32, #tpu.memory_space<hbm>>
      tpu.wait_dma2 semaphore(%run_scoped3A : memref<!tpu.dma_semaphore, #tpu.memory_space<semaphore_mem>>) src(%dma_wait3A_58 : memref<79x128xi32, #tpu.memory_space<hbm>>) dst(%arg8 : memref<79x128xi32, #tpu.memory_space<vmem>>)
      tpu.yield
    }) : () -> ()
    "tpu.region"() ({
      %run_scoped3A = tpu.sem_alloc : memref<!tpu.dma_semaphore, #tpu.memory_space<semaphore_mem>>
      %dma_start3A = arith.constant 0 : i32
      %dma_start3A_45 = arith.constant 0 : i32
      %dma_start3A_46 = tpu.memref_slice %arg4[%add3A, %dma_start3A, %dma_start3A_45] : memref<32x79x128xi32, #tpu.memory_space<hbm>> -> memref<1x79x128xi32, #tpu.memory_space<hbm>>
      %dma_start3A_47 = tpu.memref_squeeze %dma_start3A_46 : memref<1x79x128xi32, #tpu.memory_space<hbm>> -> memref<79x128xi32, #tpu.memory_space<hbm>>
      %dma_start3A_48 = arith.constant 0 : i32
      %dma_start3A_49 = arith.constant 0 : i32
      %dma_start3A_50 = tpu.memref_slice %arg4[%add3A, %dma_start3A_48, %dma_start3A_49] : memref<32x79x128xi32, #tpu.memory_space<hbm>> -> memref<1x79x128xi32, #tpu.memory_space<hbm>>
      %dma_start3A_51 = tpu.memref_squeeze %dma_start3A_50 : memref<1x79x128xi32, #tpu.memory_space<hbm>> -> memref<79x128xi32, #tpu.memory_space<hbm>>
      tpu.enqueue_dma source(%dma_start3A_51 : memref<79x128xi32, #tpu.memory_space<hbm>>) target(%arg9 : memref<79x128xi32, #tpu.memory_space<vmem>>) target_semaphore(%run_scoped3A : memref<!tpu.dma_semaphore, #tpu.memory_space<semaphore_mem>>)
      %dma_wait3A = arith.constant 0 : i32
      %dma_wait3A_52 = arith.constant 0 : i32
      %dma_wait3A_53 = tpu.memref_slice %arg4[%add3A, %dma_wait3A, %dma_wait3A_52] : memref<32x79x128xi32, #tpu.memory_space<hbm>> -> memref<1x79x128xi32, #tpu.memory_space<hbm>>
      %dma_wait3A_54 = tpu.memref_squeeze %dma_wait3A_53 : memref<1x79x128xi32, #tpu.memory_space<hbm>> -> memref<79x128xi32, #tpu.memory_space<hbm>>
      %dma_wait3A_55 = arith.constant 0 : i32
      %dma_wait3A_56 = arith.constant 0 : i32
      %dma_wait3A_57 = tpu.memref_slice %arg4[%add3A, %dma_wait3A_55, %dma_wait3A_56] : memref<32x79x128xi32, #tpu.memory_space<hbm>> -> memref<1x79x128xi32, #tpu.memory_space<hbm>>
      %dma_wait3A_58 = tpu.memref_squeeze %dma_wait3A_57 : memref<1x79x128xi32, #tpu.memory_space<hbm>> -> memref<79x128xi32, #tpu.memory_space<hbm>>
      tpu.wait_dma2 semaphore(%run_scoped3A : memref<!tpu.dma_semaphore, #tpu.memory_space<semaphore_mem>>) src(%dma_wait3A_58 : memref<79x128xi32, #tpu.memory_space<hbm>>) dst(%arg9 : memref<79x128xi32, #tpu.memory_space<vmem>>)
      tpu.yield
    }) : () -> ()
    %mul3A_1 = arith.constant 624 : i32
    %mul3A_2 = arith.muli %arg1, %mul3A_1 : i32
    %eq3A = arith.constant 0 : i32
    %eq3A_3 = arith.cmpi eq, %arg0, %eq3A : i32
    %lt3A = arith.constant 15 : i32
    %lt3A_4 = arith.cmpi slt, %arg1, %lt3A : i32
    %and3A = arith.andi %eq3A_3, %lt3A_4 : i1
    %convert_element_type3A = arith.extui %and3A : i1 to i32
    %cond3A = arith.constant 0 : i32
    %cond3A_5 = arith.cmpi ne, %convert_element_type3A, %cond3A : i32
    scf.if %cond3A_5 {
      "tpu.region"() ({
        %run_scoped3A = tpu.sem_alloc : memref<!tpu.dma_semaphore, #tpu.memory_space<semaphore_mem>>
        %dma_start3A = arith.constant 0 : i32
        %dma_start3A_45 = tpu.memref_slice %arg7[%mul3A_2, %dma_start3A] : memref<10008x128xf32, #tpu.memory_space<vmem_shared>> -> memref<624x128xf32, #tpu.memory_space<vmem_shared>>
        %dma_start3A_46 = arith.constant 0 : i32
        %dma_start3A_47 = tpu.memref_slice %arg2[%mul3A_2, %dma_start3A_46] : memref<10000x128xf32, #tpu.memory_space<hbm>> -> memref<624x128xf32, #tpu.memory_space<hbm>>
        tpu.enqueue_dma source(%dma_start3A_47 : memref<624x128xf32, #tpu.memory_space<hbm>>) target(%dma_start3A_45 : memref<624x128xf32, #tpu.memory_space<vmem_shared>>) target_semaphore(%run_scoped3A : memref<!tpu.dma_semaphore, #tpu.memory_space<semaphore_mem>>)
        %dma_wait3A = arith.constant 0 : i32
        %dma_wait3A_48 = tpu.memref_slice %arg7[%mul3A_2, %dma_wait3A] : memref<10008x128xf32, #tpu.memory_space<vmem_shared>> -> memref<624x128xf32, #tpu.memory_space<vmem_shared>>
        %dma_wait3A_49 = arith.constant 0 : i32
        %dma_wait3A_50 = tpu.memref_slice %arg2[%mul3A_2, %dma_wait3A_49] : memref<10000x128xf32, #tpu.memory_space<hbm>> -> memref<624x128xf32, #tpu.memory_space<hbm>>
        tpu.wait_dma2 semaphore(%run_scoped3A : memref<!tpu.dma_semaphore, #tpu.memory_space<semaphore_mem>>) src(%dma_wait3A_50 : memref<624x128xf32, #tpu.memory_space<hbm>>) dst(%dma_wait3A_48 : memref<624x128xf32, #tpu.memory_space<vmem_shared>>)
        tpu.yield
      }) : () -> ()
    } else {
    }
    %eq3A_6 = arith.constant 0 : i32
    %eq3A_7 = arith.cmpi eq, %arg0, %eq3A_6 : i32
    %eq3A_8 = arith.constant 15 : i32
    %eq3A_9 = arith.cmpi eq, %arg1, %eq3A_8 : i32
    %and3A_10 = arith.andi %eq3A_7, %eq3A_9 : i1
    %convert_element_type3A_11 = arith.extui %and3A_10 : i1 to i32
    %cond3A_12 = arith.constant 0 : i32
    %cond3A_13 = arith.cmpi ne, %convert_element_type3A_11, %cond3A_12 : i32
    scf.if %cond3A_13 {
      "tpu.region"() ({
        %run_scoped3A = tpu.sem_alloc : memref<!tpu.dma_semaphore, #tpu.memory_space<semaphore_mem>>
        %dma_start3A = arith.constant 9360 : i32
        %dma_start3A_45 = arith.constant 0 : i32
        %dma_start3A_46 = tpu.memref_slice %arg7[%dma_start3A, %dma_start3A_45] : memref<10008x128xf32, #tpu.memory_space<vmem_shared>> -> memref<640x128xf32, #tpu.memory_space<vmem_shared>>
        %dma_start3A_47 = arith.constant 9360 : i32
        %dma_start3A_48 = arith.constant 0 : i32
        %dma_start3A_49 = tpu.memref_slice %arg2[%dma_start3A_47, %dma_start3A_48] : memref<10000x128xf32, #tpu.memory_space<hbm>> -> memref<640x128xf32, #tpu.memory_space<hbm>>
        tpu.enqueue_dma source(%dma_start3A_49 : memref<640x128xf32, #tpu.memory_space<hbm>>) target(%dma_start3A_46 : memref<640x128xf32, #tpu.memory_space<vmem_shared>>) target_semaphore(%run_scoped3A : memref<!tpu.dma_semaphore, #tpu.memory_space<semaphore_mem>>)
        %dma_wait3A = arith.constant 9360 : i32
        %dma_wait3A_50 = arith.constant 0 : i32
        %dma_wait3A_51 = tpu.memref_slice %arg7[%dma_wait3A, %dma_wait3A_50] : memref<10008x128xf32, #tpu.memory_space<vmem_shared>> -> memref<640x128xf32, #tpu.memory_space<vmem_shared>>
        %dma_wait3A_52 = arith.constant 9360 : i32
        %dma_wait3A_53 = arith.constant 0 : i32
        %dma_wait3A_54 = tpu.memref_slice %arg2[%dma_wait3A_52, %dma_wait3A_53] : memref<10000x128xf32, #tpu.memory_space<hbm>> -> memref<640x128xf32, #tpu.memory_space<hbm>>
        tpu.wait_dma2 semaphore(%run_scoped3A : memref<!tpu.dma_semaphore, #tpu.memory_space<semaphore_mem>>) src(%dma_wait3A_54 : memref<640x128xf32, #tpu.memory_space<hbm>>) dst(%dma_wait3A_51 : memref<640x128xf32, #tpu.memory_space<vmem_shared>>)
        tpu.yield
      }) : () -> ()
      "tpu.region"() ({
        %run_scoped3A = tpu.sem_alloc : memref<!tpu.dma_semaphore, #tpu.memory_space<semaphore_mem>>
        %dma_start3A = arith.constant 10000 : i32
        %dma_start3A_45 = arith.constant 0 : i32
        %dma_start3A_46 = tpu.memref_slice %arg7[%dma_start3A, %dma_start3A_45] : memref<10008x128xf32, #tpu.memory_space<vmem_shared>> -> memref<8x128xf32, #tpu.memory_space<vmem_shared>>
        %dma_start3A_47 = arith.constant 10000 : i32
        %dma_start3A_48 = arith.constant 0 : i32
        %dma_start3A_49 = tpu.memref_slice %arg5[%dma_start3A_47, %dma_start3A_48] : memref<10008x128xf32, #tpu.memory_space<hbm>> -> memref<8x128xf32, #tpu.memory_space<hbm>>
        tpu.enqueue_dma source(%dma_start3A_49 : memref<8x128xf32, #tpu.memory_space<hbm>>) target(%dma_start3A_46 : memref<8x128xf32, #tpu.memory_space<vmem_shared>>) target_semaphore(%run_scoped3A : memref<!tpu.dma_semaphore, #tpu.memory_space<semaphore_mem>>)
        %dma_wait3A = arith.constant 10000 : i32
        %dma_wait3A_50 = arith.constant 0 : i32
        %dma_wait3A_51 = tpu.memref_slice %arg7[%dma_wait3A, %dma_wait3A_50] : memref<10008x128xf32, #tpu.memory_space<vmem_shared>> -> memref<8x128xf32, #tpu.memory_space<vmem_shared>>
        %dma_wait3A_52 = arith.constant 10000 : i32
        %dma_wait3A_53 = arith.constant 0 : i32
        %dma_wait3A_54 = tpu.memref_slice %arg5[%dma_wait3A_52, %dma_wait3A_53] : memref<10008x128xf32, #tpu.memory_space<hbm>> -> memref<8x128xf32, #tpu.memory_space<hbm>>
        tpu.wait_dma2 semaphore(%run_scoped3A : memref<!tpu.dma_semaphore, #tpu.memory_space<semaphore_mem>>) src(%dma_wait3A_54 : memref<8x128xf32, #tpu.memory_space<hbm>>) dst(%dma_wait3A_51 : memref<8x128xf32, #tpu.memory_space<vmem_shared>>)
        tpu.yield
      }) : () -> ()
    } else {
    }
    %ne3A = arith.constant 0 : i32
    %ne3A_14 = arith.cmpi ne, %arg0, %ne3A : i32
    %lt3A_15 = arith.constant 15 : i32
    %lt3A_16 = arith.cmpi slt, %arg1, %lt3A_15 : i32
    %and3A_17 = arith.andi %ne3A_14, %lt3A_16 : i1
    %convert_element_type3A_18 = arith.extui %and3A_17 : i1 to i32
    %cond3A_19 = arith.constant 0 : i32
    %cond3A_20 = arith.cmpi ne, %convert_element_type3A_18, %cond3A_19 : i32
    scf.if %cond3A_20 {
      "tpu.region"() ({
        %run_scoped3A = tpu.sem_alloc : memref<!tpu.dma_semaphore, #tpu.memory_space<semaphore_mem>>
        %dma_start3A = arith.constant 0 : i32
        %dma_start3A_45 = tpu.memref_slice %arg7[%mul3A_2, %dma_start3A] : memref<10008x128xf32, #tpu.memory_space<vmem_shared>> -> memref<624x128xf32, #tpu.memory_space<vmem_shared>>
        %dma_start3A_46 = arith.constant 0 : i32
        %dma_start3A_47 = tpu.memref_slice %arg5[%mul3A_2, %dma_start3A_46] : memref<10008x128xf32, #tpu.memory_space<hbm>> -> memref<624x128xf32, #tpu.memory_space<hbm>>
        tpu.enqueue_dma source(%dma_start3A_47 : memref<624x128xf32, #tpu.memory_space<hbm>>) target(%dma_start3A_45 : memref<624x128xf32, #tpu.memory_space<vmem_shared>>) target_semaphore(%run_scoped3A : memref<!tpu.dma_semaphore, #tpu.memory_space<semaphore_mem>>)
        %dma_wait3A = arith.constant 0 : i32
        %dma_wait3A_48 = tpu.memref_slice %arg7[%mul3A_2, %dma_wait3A] : memref<10008x128xf32, #tpu.memory_space<vmem_shared>> -> memref<624x128xf32, #tpu.memory_space<vmem_shared>>
        %dma_wait3A_49 = arith.constant 0 : i32
        %dma_wait3A_50 = tpu.memref_slice %arg5[%mul3A_2, %dma_wait3A_49] : memref<10008x128xf32, #tpu.memory_space<hbm>> -> memref<624x128xf32, #tpu.memory_space<hbm>>
        tpu.wait_dma2 semaphore(%run_scoped3A : memref<!tpu.dma_semaphore, #tpu.memory_space<semaphore_mem>>) src(%dma_wait3A_50 : memref<624x128xf32, #tpu.memory_space<hbm>>) dst(%dma_wait3A_48 : memref<624x128xf32, #tpu.memory_space<vmem_shared>>)
        tpu.yield
      }) : () -> ()
    } else {
    }
    %ne3A_21 = arith.constant 0 : i32
    %ne3A_22 = arith.cmpi ne, %arg0, %ne3A_21 : i32
    %eq3A_23 = arith.constant 15 : i32
    %eq3A_24 = arith.cmpi eq, %arg1, %eq3A_23 : i32
    %and3A_25 = arith.andi %ne3A_22, %eq3A_24 : i1
    %convert_element_type3A_26 = arith.extui %and3A_25 : i1 to i32
    %cond3A_27 = arith.constant 0 : i32
    %cond3A_28 = arith.cmpi ne, %convert_element_type3A_26, %cond3A_27 : i32
    scf.if %cond3A_28 {
      "tpu.region"() ({
        %run_scoped3A = tpu.sem_alloc : memref<!tpu.dma_semaphore, #tpu.memory_space<semaphore_mem>>
        %dma_start3A = arith.constant 9360 : i32
        %dma_start3A_45 = arith.constant 0 : i32
        %dma_start3A_46 = tpu.memref_slice %arg7[%dma_start3A, %dma_start3A_45] : memref<10008x128xf32, #tpu.memory_space<vmem_shared>> -> memref<648x128xf32, #tpu.memory_space<vmem_shared>>
        %dma_start3A_47 = arith.constant 9360 : i32
        %dma_start3A_48 = arith.constant 0 : i32
        %dma_start3A_49 = tpu.memref_slice %arg5[%dma_start3A_47, %dma_start3A_48] : memref<10008x128xf32, #tpu.memory_space<hbm>> -> memref<648x128xf32, #tpu.memory_space<hbm>>
        tpu.enqueue_dma source(%dma_start3A_49 : memref<648x128xf32, #tpu.memory_space<hbm>>) target(%dma_start3A_46 : memref<648x128xf32, #tpu.memory_space<vmem_shared>>) target_semaphore(%run_scoped3A : memref<!tpu.dma_semaphore, #tpu.memory_space<semaphore_mem>>)
        %dma_wait3A = arith.constant 9360 : i32
        %dma_wait3A_50 = arith.constant 0 : i32
        %dma_wait3A_51 = tpu.memref_slice %arg7[%dma_wait3A, %dma_wait3A_50] : memref<10008x128xf32, #tpu.memory_space<vmem_shared>> -> memref<648x128xf32, #tpu.memory_space<vmem_shared>>
        %dma_wait3A_52 = arith.constant 9360 : i32
        %dma_wait3A_53 = arith.constant 0 : i32
        %dma_wait3A_54 = tpu.memref_slice %arg5[%dma_wait3A_52, %dma_wait3A_53] : memref<10008x128xf32, #tpu.memory_space<hbm>> -> memref<648x128xf32, #tpu.memory_space<hbm>>
        tpu.wait_dma2 semaphore(%run_scoped3A : memref<!tpu.dma_semaphore, #tpu.memory_space<semaphore_mem>>) src(%dma_wait3A_54 : memref<648x128xf32, #tpu.memory_space<hbm>>) dst(%dma_wait3A_51 : memref<648x128xf32, #tpu.memory_space<vmem_shared>>)
        tpu.yield
      }) : () -> ()
    } else {
    }
    %barrier3A = arith.constant 0 : index
    tpu.barrier barrier_id(%barrier3A)
    %scan3A = arith.constant 0 : i32
    %scan3A_29 = arith.constant 0 : i32
    %scan3A_30 = arith.constant 79 : i32
    %scan3A_31 = arith.addi %scan3A_29, %scan3A_30 : i32
    %scan3A_32 = arith.constant 1 : i32
    scf.for %scan3A_45 = %scan3A_29 to %scan3A_31 step %scan3A_32  : i32 {
      %dma_start3A = arith.constant 0 : i32
      %dma_start3A_46 = tpu.memref_slice %arg8[%scan3A_45, %dma_start3A] : memref<79x128xi32, #tpu.memory_space<vmem>> -> memref<1x128xi32, #tpu.memory_space<vmem>>
      %dma_start3A_47 = tpu.memref_squeeze %dma_start3A_46 : memref<1x128xi32, #tpu.memory_space<vmem>> -> memref<128xi32, #tpu.memory_space<vmem>>
      %dma_start3A_48 = arith.constant 0 : i32
      %dma_start3A_49 = arith.constant 0 : i32
      %dma_start3A_50 = tpu.memref_slice %arg2[%dma_start3A_48, %dma_start3A_49] : memref<10000x128xf32, #tpu.memory_space<hbm>> -> memref<10000x128xf32, #tpu.memory_space<hbm>>
      tpu.enqueue_indirect_dma source(%dma_start3A_50 : memref<10000x128xf32, #tpu.memory_space<hbm>>) target(%arg10 : memref<128x128xf32, #tpu.memory_space<vmem>>) offsets(%dma_start3A_47 : memref<128xi32, #tpu.memory_space<vmem>>) semaphore(%arg11 : memref<!tpu.dma_semaphore, #tpu.memory_space<semaphore_mem>>)
      %dma_wait3A = arith.constant 0 : i32
      %dma_wait3A_51 = tpu.memref_slice %arg8[%scan3A_45, %dma_wait3A] : memref<79x128xi32, #tpu.memory_space<vmem>> -> memref<1x128xi32, #tpu.memory_space<vmem>>
      %dma_wait3A_52 = tpu.memref_squeeze %dma_wait3A_51 : memref<1x128xi32, #tpu.memory_space<vmem>> -> memref<128xi32, #tpu.memory_space<vmem>>
      %dma_wait3A_53 = arith.constant 0 : i32
      %dma_wait3A_54 = arith.constant 0 : i32
      %dma_wait3A_55 = tpu.memref_slice %arg2[%dma_wait3A_53, %dma_wait3A_54] : memref<10000x128xf32, #tpu.memory_space<hbm>> -> memref<10000x128xf32, #tpu.memory_space<hbm>>
      tpu.wait_indirect_dma semaphore(%arg11 : memref<!tpu.dma_semaphore, #tpu.memory_space<semaphore_mem>>) src(%dma_wait3A_55 : memref<10000x128xf32, #tpu.memory_space<hbm>>) dst(%arg10 : memref<128x128xf32, #tpu.memory_space<vmem>>)
      "tpu.region"() ({
        %run_scoped3A = tpu.sem_alloc : memref<!tpu.dma_semaphore, #tpu.memory_space<semaphore_mem>>
        %dma_start3A_56 = arith.constant 0 : i32
        %dma_start3A_57 = tpu.memref_slice %arg9[%scan3A_45, %dma_start3A_56] : memref<79x128xi32, #tpu.memory_space<vmem>> -> memref<1x128xi32, #tpu.memory_space<vmem>>
        %dma_start3A_58 = tpu.memref_squeeze %dma_start3A_57 : memref<1x128xi32, #tpu.memory_space<vmem>> -> memref<128xi32, #tpu.memory_space<vmem>>
        %dma_start3A_59 = arith.constant 0 : i32
        %dma_start3A_60 = arith.constant 0 : i32
        %dma_start3A_61 = tpu.memref_slice %arg7[%dma_start3A_59, %dma_start3A_60] : memref<10008x128xf32, #tpu.memory_space<vmem_shared>> -> memref<10008x128xf32, #tpu.memory_space<vmem_shared>>
        tpu.enqueue_indirect_dma source(%arg10 : memref<128x128xf32, #tpu.memory_space<vmem>>) target(%dma_start3A_61 : memref<10008x128xf32, #tpu.memory_space<vmem_shared>>) offsets(%dma_start3A_58 : memref<128xi32, #tpu.memory_space<vmem>>) semaphore(%run_scoped3A : memref<!tpu.dma_semaphore, #tpu.memory_space<semaphore_mem>>) {add = true}
        %dma_wait3A_62 = arith.constant 0 : i32
        %dma_wait3A_63 = tpu.memref_slice %arg9[%scan3A_45, %dma_wait3A_62] : memref<79x128xi32, #tpu.memory_space<vmem>> -> memref<1x128xi32, #tpu.memory_space<vmem>>
        %dma_wait3A_64 = tpu.memref_squeeze %dma_wait3A_63 : memref<1x128xi32, #tpu.memory_space<vmem>> -> memref<128xi32, #tpu.memory_space<vmem>>
        %dma_wait3A_65 = arith.constant 0 : i32
        %dma_wait3A_66 = arith.constant 0 : i32
        %dma_wait3A_67 = tpu.memref_slice %arg7[%dma_wait3A_65, %dma_wait3A_66] : memref<10008x128xf32, #tpu.memory_space<vmem_shared>> -> memref<10008x128xf32, #tpu.memory_space<vmem_shared>>
        tpu.wait_indirect_dma semaphore(%run_scoped3A : memref<!tpu.dma_semaphore, #tpu.memory_space<semaphore_mem>>) src(%arg10 : memref<128x128xf32, #tpu.memory_space<vmem>>) dst(%dma_wait3A_67 : memref<10008x128xf32, #tpu.memory_space<vmem_shared>>)
        tpu.yield
      }) : () -> ()
    }
    %scan3A_33 = arith.constant 79 : i32
    %barrier3A_34 = arith.constant 0 : index
    tpu.barrier barrier_id(%barrier3A_34)
    %lt3A_35 = arith.constant 15 : i32
    %lt3A_36 = arith.cmpi slt, %arg1, %lt3A_35 : i32
    %convert_element_type3A_37 = arith.extui %lt3A_36 : i1 to i32
    %cond3A_38 = arith.constant 0 : i32
    %cond3A_39 = arith.cmpi ne, %convert_element_type3A_37, %cond3A_38 : i32
    scf.if %cond3A_39 {
      "tpu.region"() ({
        %run_scoped3A = tpu.sem_alloc : memref<!tpu.dma_semaphore, #tpu.memory_space<semaphore_mem>>
        %dma_start3A = arith.constant 0 : i32
        %dma_start3A_45 = tpu.memref_slice %arg6[%arg0, %mul3A_2, %dma_start3A] : memref<2x10000x128xf32, #tpu.memory_space<hbm>> -> memref<1x624x128xf32, #tpu.memory_space<hbm>>
        %dma_start3A_46 = tpu.memref_squeeze %dma_start3A_45 : memref<1x624x128xf32, #tpu.memory_space<hbm>> -> memref<624x128xf32, #tpu.memory_space<hbm>>
        %dma_start3A_47 = arith.constant 0 : i32
        %dma_start3A_48 = tpu.memref_slice %arg7[%mul3A_2, %dma_start3A_47] : memref<10008x128xf32, #tpu.memory_space<vmem_shared>> -> memref<624x128xf32, #tpu.memory_space<vmem_shared>>
        tpu.enqueue_dma source(%dma_start3A_48 : memref<624x128xf32, #tpu.memory_space<vmem_shared>>) target(%dma_start3A_46 : memref<624x128xf32, #tpu.memory_space<hbm>>) target_semaphore(%run_scoped3A : memref<!tpu.dma_semaphore, #tpu.memory_space<semaphore_mem>>)
        %dma_wait3A = arith.constant 0 : i32
        %dma_wait3A_49 = tpu.memref_slice %arg6[%arg0, %mul3A_2, %dma_wait3A] : memref<2x10000x128xf32, #tpu.memory_space<hbm>> -> memref<1x624x128xf32, #tpu.memory_space<hbm>>
        %dma_wait3A_50 = tpu.memref_squeeze %dma_wait3A_49 : memref<1x624x128xf32, #tpu.memory_space<hbm>> -> memref<624x128xf32, #tpu.memory_space<hbm>>
        %dma_wait3A_51 = arith.constant 0 : i32
        %dma_wait3A_52 = tpu.memref_slice %arg7[%mul3A_2, %dma_wait3A_51] : memref<10008x128xf32, #tpu.memory_space<vmem_shared>> -> memref<624x128xf32, #tpu.memory_space<vmem_shared>>
        tpu.wait_dma2 semaphore(%run_scoped3A : memref<!tpu.dma_semaphore, #tpu.memory_space<semaphore_mem>>) src(%dma_wait3A_52 : memref<624x128xf32, #tpu.memory_space<vmem_shared>>) dst(%dma_wait3A_50 : memref<624x128xf32, #tpu.memory_space<hbm>>)
        tpu.yield
      }) : () -> ()
    } else {
    }
    %eq3A_40 = arith.constant 15 : i32
    %eq3A_41 = arith.cmpi eq, %arg1, %eq3A_40 : i32
    %convert_element_type3A_42 = arith.extui %eq3A_41 : i1 to i32
    %cond3A_43 = arith.constant 0 : i32
    %cond3A_44 = arith.cmpi ne, %convert_element_type3A_42, %cond3A_43 : i32
    scf.if %cond3A_44 {
      "tpu.region"() ({
        %run_scoped3A = tpu.sem_alloc : memref<!tpu.dma_semaphore, #tpu.memory_space<semaphore_mem>>
        %dma_start3A = arith.constant 9360 : i32
        %dma_start3A_45 = arith.constant 0 : i32
        %dma_start3A_46 = tpu.memref_slice %arg6[%arg0, %dma_start3A, %dma_start3A_45] : memref<2x10000x128xf32, #tpu.memory_space<hbm>> -> memref<1x640x128xf32, #tpu.memory_space<hbm>>
        %dma_start3A_47 = tpu.memref_squeeze %dma_start3A_46 : memref<1x640x128xf32, #tpu.memory_space<hbm>> -> memref<640x128xf32, #tpu.memory_space<hbm>>
        %dma_start3A_48 = arith.constant 9360 : i32
        %dma_start3A_49 = arith.constant 0 : i32
        %dma_start3A_50 = tpu.memref_slice %arg7[%dma_start3A_48, %dma_start3A_49] : memref<10008x128xf32, #tpu.memory_space<vmem_shared>> -> memref<640x128xf32, #tpu.memory_space<vmem_shared>>
        tpu.enqueue_dma source(%dma_start3A_50 : memref<640x128xf32, #tpu.memory_space<vmem_shared>>) target(%dma_start3A_47 : memref<640x128xf32, #tpu.memory_space<hbm>>) target_semaphore(%run_scoped3A : memref<!tpu.dma_semaphore, #tpu.memory_space<semaphore_mem>>)
        %dma_wait3A = arith.constant 9360 : i32
        %dma_wait3A_51 = arith.constant 0 : i32
        %dma_wait3A_52 = tpu.memref_slice %arg6[%arg0, %dma_wait3A, %dma_wait3A_51] : memref<2x10000x128xf32, #tpu.memory_space<hbm>> -> memref<1x640x128xf32, #tpu.memory_space<hbm>>
        %dma_wait3A_53 = tpu.memref_squeeze %dma_wait3A_52 : memref<1x640x128xf32, #tpu.memory_space<hbm>> -> memref<640x128xf32, #tpu.memory_space<hbm>>
        %dma_wait3A_54 = arith.constant 9360 : i32
        %dma_wait3A_55 = arith.constant 0 : i32
        %dma_wait3A_56 = tpu.memref_slice %arg7[%dma_wait3A_54, %dma_wait3A_55] : memref<10008x128xf32, #tpu.memory_space<vmem_shared>> -> memref<640x128xf32, #tpu.memory_space<vmem_shared>>
        tpu.wait_dma2 semaphore(%run_scoped3A : memref<!tpu.dma_semaphore, #tpu.memory_space<semaphore_mem>>) src(%dma_wait3A_56 : memref<640x128xf32, #tpu.memory_space<vmem_shared>>) dst(%dma_wait3A_53 : memref<640x128xf32, #tpu.memory_space<hbm>>)
        tpu.yield
      }) : () -> ()
    } else {
    }
    return
  }
}

module attributes {stable_mosaic.version = 14 : i64} {
  func.func @_mlp_body(%arg0: i32, %arg1: memref<2x1000x128xf32, #tpu.memory_space<vmem>>, %arg2: memref<128x128xf32, #tpu.memory_space<vmem>>, %arg3: memref<1x128xf32, #tpu.memory_space<vmem>>, %arg4: memref<1x128xf32, #tpu.memory_space<vmem>>, %arg5: memref<1000x128xf32, #tpu.memory_space<vmem>>) attributes {dimension_semantics = [#tpu.dimension_semantics<arbitrary>], iteration_bounds = array<i64: 10>, scalar_prefetch = 0 : i64, scratch_operands = 0 : i64, tpu.core_type = #tpu.core_type<tc>, window_params = [{transform_indices = @transform_0, window_bounds = array<i64: 2, 1000, 128>}, {pipeline_mode = #tpu.pipeline_mode<synchronous>, transform_indices = @transform_1, window_bounds = array<i64: 128, 128>}, {pipeline_mode = #tpu.pipeline_mode<synchronous>, transform_indices = @transform_2, window_bounds = array<i64: 1, 128>}, {pipeline_mode = #tpu.pipeline_mode<synchronous>, transform_indices = @transform_3, window_bounds = array<i64: 1, 128>}, {transform_indices = @transform_4, window_bounds = array<i64: 1000, 128>}]} {
    %get3A = arith.constant 0 : index
    %get3A_0 = arith.constant 0 : index
    %get3A_1 = arith.constant 0 : index
    %get3A_2 = vector.load %arg1[%get3A, %get3A_0, %get3A_1] : memref<2x1000x128xf32, #tpu.memory_space<vmem>>, vector<1x1000x128xf32>
    %get3A_3 = vector.shape_cast %get3A_2 : vector<1x1000x128xf32> to vector<1000x128xf32>
    %get3A_4 = arith.constant 1 : index
    %get3A_5 = arith.constant 0 : index
    %get3A_6 = arith.constant 0 : index
    %get3A_7 = vector.load %arg1[%get3A_4, %get3A_5, %get3A_6] : memref<2x1000x128xf32, #tpu.memory_space<vmem>>, vector<1x1000x128xf32>
    %get3A_8 = vector.shape_cast %get3A_7 : vector<1x1000x128xf32> to vector<1000x128xf32>
    %add3A = arith.addf %get3A_3, %get3A_8 : vector<1000x128xf32>
    %get3A_9 = arith.constant 0 : index
    %get3A_10 = arith.constant 0 : index
    %get3A_11 = vector.load %arg2[%get3A_9, %get3A_10] : memref<128x128xf32, #tpu.memory_space<vmem>>, vector<128x128xf32>
    %dot_general3A = arith.constant dense<0.000000e+00> : vector<1000x128xf32>
    %dot_general3A_12 = tpu.matmul %add3A, %get3A_11, %dot_general3A {dimension_numbers = #tpu.dot_dimension_numbers<[1], [0], [0], [1], [0, 0, 1, 1], [], []>, transpose_lhs_hint = false} : vector<1000x128xf32>, vector<128x128xf32>, vector<1000x128xf32> -> vector<1000x128xf32>
    %get3A_13 = arith.constant 0 : index
    %get3A_14 = arith.constant 0 : index
    %get3A_15 = vector.load %arg3[%get3A_13, %get3A_14] : memref<1x128xf32, #tpu.memory_space<vmem>>, vector<1x128xf32>
    %add3A_16 = vector.broadcast %get3A_15 : vector<1x128xf32> to vector<1000x128xf32>
    %add3A_17 = arith.addf %dot_general3A_12, %add3A_16 : vector<1000x128xf32>
    %ge3A = arith.constant 0.000000e+00 : f32
    %ge3A_18 = vector.broadcast %ge3A : f32 to vector<1000x128xf32>
    %ge3A_19 = arith.cmpf oge, %add3A_17, %ge3A_18 : vector<1000x128xf32>
    %get3A_20 = arith.constant 0 : index
    %get3A_21 = arith.constant 0 : index
    %get3A_22 = vector.load %arg4[%get3A_20, %get3A_21] : memref<1x128xf32, #tpu.memory_space<vmem>>, vector<1x128xf32>
    %mul3A = vector.broadcast %get3A_22 : vector<1x128xf32> to vector<1000x128xf32>
    %mul3A_23 = arith.mulf %mul3A, %add3A_17 : vector<1000x128xf32>
    %select_n3A = arith.select %ge3A_19, %add3A_17, %mul3A_23 : vector<1000x128xi1>, vector<1000x128xf32>
    %swap3A = arith.constant 0 : index
    %swap3A_24 = arith.constant 0 : index
    %swap3A_25 = vector.load %arg5[%swap3A, %swap3A_24] : memref<1000x128xf32, #tpu.memory_space<vmem>>, vector<1000x128xf32>
    tpu.vector_store %arg5[%swap3A, %swap3A_24], %select_n3A {strides = array<i32>} : memref<1000x128xf32, #tpu.memory_space<vmem>>, vector<1000x128xf32>,
    return
  }
  func.func @transform_0(%arg0: i32) -> (i32, i32, i32) {
    %c0_i32 = arith.constant 0 : i32
    %c0_i32_0 = arith.constant 0 : i32
    %c0_i32_1 = arith.constant 0 : i32
    return %c0_i32, %arg0, %c0_i32_0 : i32, i32, i32
  }
  func.func @transform_1(%arg0: i32) -> (i32, i32) {
    %c0_i32 = arith.constant 0 : i32
    %c0_i32_0 = arith.constant 0 : i32
    %c0_i32_1 = arith.constant 0 : i32
    return %c0_i32, %c0_i32_0 : i32, i32
  }
  func.func @transform_2(%arg0: i32) -> (i32, i32) {
    %c0_i32 = arith.constant 0 : i32
    %c0_i32_0 = arith.constant 0 : i32
    %c0_i32_1 = arith.constant 0 : i32
    return %c0_i32, %c0_i32_0 : i32, i32
  }
  func.func @transform_3(%arg0: i32) -> (i32, i32) {
    %c0_i32 = arith.constant 0 : i32
    %c0_i32_0 = arith.constant 0 : i32
    %c0_i32_1 = arith.constant 0 : i32
    return %c0_i32, %c0_i32_0 : i32, i32
  }
  func.func @transform_4(%arg0: i32) -> (i32, i32) {
    %c0_i32 = arith.constant 0 : i32
    %c0_i32_0 = arith.constant 0 : i32
    return %arg0, %c0_i32 : i32, i32
  }
}

module attributes {stable_mosaic.version = 14 : i64} {
  func.func @_mlp_body(%arg0: i32, %arg1: memref<2x1000x128xf32, #tpu.memory_space<vmem>>, %arg2: memref<128x128xf32, #tpu.memory_space<vmem>>, %arg3: memref<1x128xf32, #tpu.memory_space<vmem>>, %arg4: memref<1x128xf32, #tpu.memory_space<vmem>>, %arg5: memref<1000x128xf32, #tpu.memory_space<vmem>>) attributes {dimension_semantics = [#tpu.dimension_semantics<arbitrary>], iteration_bounds = array<i64: 10>, scalar_prefetch = 0 : i64, scratch_operands = 0 : i64, tpu.core_type = #tpu.core_type<tc>, window_params = [{transform_indices = @transform_0, window_bounds = array<i64: 2, 1000, 128>}, {pipeline_mode = #tpu.pipeline_mode<synchronous>, transform_indices = @transform_1, window_bounds = array<i64: 128, 128>}, {pipeline_mode = #tpu.pipeline_mode<synchronous>, transform_indices = @transform_2, window_bounds = array<i64: 1, 128>}, {pipeline_mode = #tpu.pipeline_mode<synchronous>, transform_indices = @transform_3, window_bounds = array<i64: 1, 128>}, {transform_indices = @transform_4, window_bounds = array<i64: 1000, 128>}]} {
    %get3A = arith.constant 0 : index
    %get3A_0 = arith.constant 0 : index
    %get3A_1 = arith.constant 0 : index
    %get3A_2 = vector.load %arg1[%get3A, %get3A_0, %get3A_1] : memref<2x1000x128xf32, #tpu.memory_space<vmem>>, vector<1x1000x128xf32>
    %get3A_3 = vector.shape_cast %get3A_2 : vector<1x1000x128xf32> to vector<1000x128xf32>
    %get3A_4 = arith.constant 1 : index
    %get3A_5 = arith.constant 0 : index
    %get3A_6 = arith.constant 0 : index
    %get3A_7 = vector.load %arg1[%get3A_4, %get3A_5, %get3A_6] : memref<2x1000x128xf32, #tpu.memory_space<vmem>>, vector<1x1000x128xf32>
    %get3A_8 = vector.shape_cast %get3A_7 : vector<1x1000x128xf32> to vector<1000x128xf32>
    %add3A = arith.addf %get3A_3, %get3A_8 : vector<1000x128xf32>
    %get3A_9 = arith.constant 0 : index
    %get3A_10 = arith.constant 0 : index
    %get3A_11 = vector.load %arg2[%get3A_9, %get3A_10] : memref<128x128xf32, #tpu.memory_space<vmem>>, vector<128x128xf32>
    %dot_general3A = arith.constant dense<0.000000e+00> : vector<1000x128xf32>
    %dot_general3A_12 = tpu.matmul %add3A, %get3A_11, %dot_general3A {dimension_numbers = #tpu.dot_dimension_numbers<[1], [0], [0], [1], [0, 0, 1, 1], [], []>, transpose_lhs_hint = false} : vector<1000x128xf32>, vector<128x128xf32>, vector<1000x128xf32> -> vector<1000x128xf32>
    %get3A_13 = arith.constant 0 : index
    %get3A_14 = arith.constant 0 : index
    %get3A_15 = vector.load %arg3[%get3A_13, %get3A_14] : memref<1x128xf32, #tpu.memory_space<vmem>>, vector<1x128xf32>
    %add3A_16 = vector.broadcast %get3A_15 : vector<1x128xf32> to vector<1000x128xf32>
    %add3A_17 = arith.addf %dot_general3A_12, %add3A_16 : vector<1000x128xf32>
    %ge3A = arith.constant 0.000000e+00 : f32
    %ge3A_18 = vector.broadcast %ge3A : f32 to vector<1000x128xf32>
    %ge3A_19 = arith.cmpf oge, %add3A_17, %ge3A_18 : vector<1000x128xf32>
    %get3A_20 = arith.constant 0 : index
    %get3A_21 = arith.constant 0 : index
    %get3A_22 = vector.load %arg4[%get3A_20, %get3A_21] : memref<1x128xf32, #tpu.memory_space<vmem>>, vector<1x128xf32>
    %mul3A = vector.broadcast %get3A_22 : vector<1x128xf32> to vector<1000x128xf32>
    %mul3A_23 = arith.mulf %mul3A, %add3A_17 : vector<1000x128xf32>
    %select_n3A = arith.select %ge3A_19, %add3A_17, %mul3A_23 : vector<1000x128xi1>, vector<1000x128xf32>
    %swap3A = arith.constant 0 : index
    %swap3A_24 = arith.constant 0 : index
    %swap3A_25 = vector.load %arg5[%swap3A, %swap3A_24] : memref<1000x128xf32, #tpu.memory_space<vmem>>, vector<1000x128xf32>
    tpu.vector_store %arg5[%swap3A, %swap3A_24], %select_n3A {strides = array<i32>} : memref<1000x128xf32, #tpu.memory_space<vmem>>, vector<1000x128xf32>,
    return
  }
  func.func @transform_0(%arg0: i32) -> (i32, i32, i32) {
    %c0_i32 = arith.constant 0 : i32
    %c0_i32_0 = arith.constant 0 : i32
    %c0_i32_1 = arith.constant 0 : i32
    return %c0_i32, %arg0, %c0_i32_0 : i32, i32, i32
  }
  func.func @transform_1(%arg0: i32) -> (i32, i32) {
    %c0_i32 = arith.constant 0 : i32
    %c0_i32_0 = arith.constant 0 : i32
    %c0_i32_1 = arith.constant 0 : i32
    return %c0_i32, %c0_i32_0 : i32, i32
  }
  func.func @transform_2(%arg0: i32) -> (i32, i32) {
    %c0_i32 = arith.constant 0 : i32
    %c0_i32_0 = arith.constant 0 : i32
    %c0_i32_1 = arith.constant 0 : i32
    return %c0_i32, %c0_i32_0 : i32, i32
  }
  func.func @transform_3(%arg0: i32) -> (i32, i32) {
    %c0_i32 = arith.constant 0 : i32
    %c0_i32_0 = arith.constant 0 : i32
    %c0_i32_1 = arith.constant 0 : i32
    return %c0_i32, %c0_i32_0 : i32, i32
  }
  func.func @transform_4(%arg0: i32) -> (i32, i32) {
    %c0_i32 = arith.constant 0 : i32
    %c0_i32_0 = arith.constant 0 : i32
    return %arg0, %c0_i32 : i32, i32
  }
}

</mosaic_0001>

<sc_bundles>
// kernel: kernel.6.cloned.1.call-start
scs
__scs_entry_jumppad:
0x0: {  	(pc) =	sbr.rel $0x88, $3  }
0x1: {  	(tag) =	ssettag $0x0;
	lr =	simm.s32 $0x1  }
0x2: {  	[smem:$0x3F99] =	sst lr;
	_ =	strace $0xD0000000  }
0x3: {  	_ = 	snop  }
0x4: {  	_ = 	snop  }
0x5: {  	_ = 	snop  }
0x6: {  	_ = 	snop  }
0x7: {  	_ = 	snop  }
__scs_overlays_trampoline_lowered:
0x8: {  	[smem:$0x3FA8] =	sst s0  }
0x9: {  	[smem:$0x3FA9] =	sst s1  }
0xa: {  	[smem:$0x3FAA] =	sst s2  }
0xb: {  	[smem:$0x3FAB] =	sst s3  }
0xc: {  	[smem:$0x3FAC] =	sst s4  }
0xd: {  	[smem:$0x3FAD] =	sst s5  }
0xe: {  	[smem:$0x3FAE] =	sst s6  }
0xf: {  	[smem:$0x3FAF] =	sst s7  }
0x10: {  	[smem:$0x3FB0] =	sst s8  }
0x11: {  	[smem:$0x3FB1] =	sst s9;
	s0 =	simm.s32 @!p0 $0x0  }
0x12: {  	s1 =	sld [smem:$0x3F97];
	s0 =	simm.s32 @p0 $0x1  }
0x13: {  	[smem:$0x3FB2] =	sst s0;
	s0 =	simm.s32 @!p1 $0x0  }
0x14: {  	s2 =	sld [smem:$0x3F96];
	s0 =	simm.s32 @p1 $0x1  }
0x15: {  	[smem:$0x3FB3] =	sst s0;
	s0 =	simm.s32 @!p2 $0x0  }
0x16: {  	s3 =	sld [smem:$0x3FDB];
	s0 =	simm.s32 @p2 $0x1  }
0x17: {  	s4 =	simm.s32 $0x1BF5;
	[smem:$0x3FB5] =	sst s0  }
0x18: {  	s0 =	sld [smem:$0x3F98];
	_ =	swait.ge [sflag:s4], $0x0  }
0x19: {  	s7 =	sld [smem:$0x3F99]  }
0x1a: {  	s8 =	sadd.s32 $0xFFFFE003, lr  }
0x1b: {  	s9 =	sadd.s32 $0xFFFFFEF7, lr;
	s5 =	simm.s32 $0xFFFFFFFF;
	p2 =	slt.u32 s8, $0xFFFFF086  }
0x1c: {  	p1 =	slt.u32 s9, $0xF7A;
	s5 =	simm.s32 @!p2 $0x0  }
0x1d: {  	s5 =	simm.s32 @p1 $0x1;
	p0 =	seq.s32 s7, s2  }
0x1e: {  	s7 =	smul.u32 @!p0 $0xF7A, s2;
	p2 =	seq.s32 @!p0 s5, $0x0  }
0x1f: {  	s9 =	smul.u32 $0xF7A, s1;
	s8 =	simm.s32 @!p0 $0x1BF5;
	p2 =	por !p2, p0  }
0x20: {  	[sflag:s8] =	ssyncset.s32 @!p0 $0xFFFFF086;
	s6 =	sadd.s32 @!p0 s3, s7;
	s7 =	simm.s32 @!p0 $0x108  }
0x21: {  	s3 =	sadd.s32 s3, s9;
	s6 =	sadd.s32 @!p0 $0x88, s6;
	s7 =	simm.s32 @p2 $0x1082  }
0x22: {  	[simem:s7], [sflag:s8] =	dma.local @!p0 [hbm:s6], $0xF7A  }
0x23: {  	s9 =	sor.u32 $0xD0000000, s2;
	s6 =	simm.s32 $0x108;
	_ =	swait.ge @!p0 [sflag:s8], $0x0  }
0x24: {  	s3 =	sadd.s32 $0x88, s3;
	s6 =	simm.s32 @!p1 $0x1082;
	[sflag:s4] =	ssyncset.s32 $0xFFFFF086  }
0x25: {  	[simem:s6], [sflag:s4] =	dma.local [hbm:s3], $0xF7A  }
0x26: {  	[smem:$0x3F99] =	sst s1;
	(tag) =	ssettag s2;
	_ =	strace s9  }
0x27: {  	s1 =	sld [smem:$0x3FA9]  }
0x28: {  	s2 =	sld [smem:$0x3FAA]  }
0x29: {  	s4 =	sld [smem:$0x3FAC]  }
0x2a: {  	p0 =	seq.s32 s5, $0x0;
	s5 =	sld [smem:$0x3FAD]  }
0x2b: {  	s6 =	sld [smem:$0x3FAE]  }
0x2c: {  	s7 =	sld [smem:$0x3FAF]  }
0x2d: {  	s3 =	simm.s32 $0x108;
	s8 =	sld [smem:$0x3FB0]  }
0x2e: {  	s3 =	simm.s32 @!p0 $0x1082;
	s9 =	sld [smem:$0x3FB1]  }
0x2f: {  	lr =	sadd.s32 s0, s3;
	s0 =	sld [smem:$0x3FA8]  }
0x30: {  	s3 =	sld [smem:$0x3FAB]  }
0x31: {  	[smem:$0x3FB4] =	sst s10  }
0x32: {  	s10 =	sld [smem:$0x3FB2];
	_ =	sdelay $0x3  }
0x33: {  	p0 =	seq.s32 s10, $0x1;
	s10 =	sld [smem:$0x3FB4];
	_ =	sdelay $0x3  }
0x34: {  	[smem:$0x3FB4] =	sst s10  }
0x35: {  	s10 =	sld [smem:$0x3FB3];
	_ =	sdelay $0x3  }
0x36: {  	p1 =	seq.s32 s10, $0x1;
	s10 =	sld [smem:$0x3FB4];
	_ =	sdelay $0x3  }
0x37: {  	[smem:$0x3FB4] =	sst s10  }
0x38: {  	s10 =	sld [smem:$0x3FB5]  }
0x39: {  	_ = 	snop;
	(pc) =	sbr.ind lr, $3  }
0x3a: {  	_ = 	snop  }
0x3b: {  	_ = 	snop  }
0x3c: {  	p2 =	seq.s32 s10, $0x1;
	s10 =	sld [smem:$0x3FB4]  }
0x3d: {  	_ =	shalt  }
0x3e: {  	_ =	shalt  }
0x3f: {  	_ =	shalt  }
0x40: {  	_ =	shalt  }
0x41: {  	_ =	shalt  }
0x42: {  	_ =	shalt  }
0x43: {  	_ =	shalt  }
0x44: {  	_ =	shalt  }
0x45: {  	_ =	shalt  }
0x46: {  	_ =	shalt  }
0x47: {  	_ =	shalt  }
0x48: {  	_ =	shalt  }
0x49: {  	_ =	shalt  }
0x4a: {  	_ =	shalt  }
0x4b: {  	_ =	shalt  }
0x4c: {  	_ =	shalt  }
0x4d: {  	_ =	shalt  }
0x4e: {  	_ =	shalt  }
0x4f: {  	_ =	shalt  }
0x50: {  	_ =	shalt  }
0x51: {  	_ =	shalt  }
0x52: {  	_ =	shalt  }
0x53: {  	_ =	shalt  }
0x54: {  	_ =	shalt  }
0x55: {  	_ =	shalt  }
0x56: {  	_ =	shalt  }
0x57: {  	_ =	shalt  }
0x58: {  	_ =	shalt  }
0x59: {  	_ =	shalt  }
0x5a: {  	_ =	shalt  }
0x5b: {  	_ =	shalt  }
0x5c: {  	_ =	shalt  }
0x5d: {  	_ =	shalt  }
0x5e: {  	_ =	shalt  }
0x5f: {  	_ =	shalt  }
0x60: {  	_ =	shalt  }
0x61: {  	_ =	shalt  }
0x62: {  	_ =	shalt  }
0x63: {  	_ =	shalt  }
0x64: {  	_ =	shalt  }
0x65: {  	_ =	shalt  }
0x66: {  	_ =	shalt  }
0x67: {  	_ =	shalt  }
0x68: {  	_ =	shalt  }
0x69: {  	_ =	shalt  }
0x6a: {  	_ =	shalt  }
0x6b: {  	_ =	shalt  }
0x6c: {  	_ =	shalt  }
0x6d: {  	_ =	shalt  }
0x6e: {  	_ =	shalt  }
0x6f: {  	_ =	shalt  }
0x70: {  	_ =	shalt  }
0x71: {  	_ =	shalt  }
0x72: {  	_ =	shalt  }
0x73: {  	_ =	shalt  }
0x74: {  	_ =	shalt  }
0x75: {  	_ =	shalt  }
0x76: {  	_ =	shalt  }
0x77: {  	_ =	shalt  }
0x78: {  	_ =	shalt  }
0x79: {  	_ =	shalt  }
0x7a: {  	_ =	shalt  }
0x7b: {  	_ =	shalt  }
0x7c: {  	_ =	shalt  }
0x7d: {  	_ =	shalt  }
0x7e: {  	_ =	shalt  }
0x7f: {  	_ =	shalt  }
0x80: {  	_ =	shalt  }
0x81: {  	_ =	shalt  }
0x82: {  	_ =	shalt  }
0x83: {  	_ =	shalt  }
0x84: {  	_ =	shalt  }
0x85: {  	_ =	shalt  }
0x86: {  	_ =	shalt  }
0x87: {  	_ =	shalt  }
.Lfunc_end0:
.L_simem_size_0:
called_computation_lowered:
.L_overlay_start_0:
0x88: {  	s2 =	sld [smem:$0x3FD9]  }
0x89: {  	s3 =	sld [smem:$0x3FFE];
	_ =	sdelay $0x1  }
0x8a: {  	s1 =	srdreg.scid  }
0x8b: {  	s0 =	sand.u32 $0x1, s1  }
0x8c: {  	s17 =	sshll.u32 s0, $0xA;
	s2 =	sadd.s32 s3, s2  }
0x8d: {  	s2 =	sadd.s32 s2, s17  }
0x8e: {  	[smem:$0x3FC0] =	sst s2  }
0x8f: {  	_ = 	snop  }
0x90: {  	s2 =	sld [smem:$0x3FC9];
	(tm) =	ssettm $0x1  }
0x91: {  	s18 =	sld [smem:$0x3FFB];
	_ =	sdelay $0x3  }
0x92: {  	_ =	strace s18  }
0x93: {  	s3 =	sld [smem:$0x3FFC];
	_ =	sdelay $0x3  }
0x94: {  	_ =	strace s3  }
0x95: {  	s3 =	sld [smem:$0x3FFD];
	_ =	sdelay $0x3  }
0x96: {  	_ =	strace s3  }
0x97: {  	_ =	strace $0x8FFFFFFF  }
0x98: {  	s19 =	sld [smem:$0x3FDB];
	_ =	sdelay $0x1  }
0x99: {  	s4 =	simm.s32 $_scs_section_size  }
0x9a: {  	s5 =	simm.s32 $_size__tile_overlayer_lowered;
	s6 =	simm.s32 $_tile_overlayer_lowered  }
0x9b: {  	s22 =	simm.s32 $0x1BFF;
	s21 =	sshll.u32 s6, $0x1;
	s3 =	sadd.s32 s4, s19  }
0x9c: {  	s7 =	simm.s32 $0x0;
	s20 =	sshll.u32 s5, $0x1;
	s5 =	sadd.s32 s21, s3  }
0x9d: {  	[timem:s7], [sflag:s22] =	dma.local [hbm:s5], s20  }
0x9e: {  	_ =	swait.ge [sflag:s22], s20  }
0x9f: {  	s4 =	ssub.s32 $0x0, s20;
	[sflag:s22] =	ssyncset.done $0x0  }
0xa0: {  	[sflag:s22] =	ssyncadd.s32 s4;
	_ =	sdelay $0x1  }
0xa1: {  	s23 =	simm.s32 $0x1B8B  }
0xa2: {  	_ =	swait.ge [sflag:s23], $0x1  }
0xa3: {  	[sflag:s23] =	ssyncset.done $0x0  }
0xa4: {  	s25 =	simm.s32 $0x1B8E;
	s24 =	sld [smem:$0x3FFE];
	[sflag:s23] =	ssyncadd.s32 $0xFFFFFFFF  }
0xa5: {  	s26 =	simm.s32 $execute0_lowered;
	[smem:$0x3FD2] =	sst s25  }
0xa6: {  	s5 =	sshll.u32 s26, $0x1;
	_ =	strace $0x80000046;
	[dreg:$0x1] =	wrdreg $0xFFFFFFFF  }
0xa7: {  	s28 =	simm.s32 $_size_execute0_lowered;
	s3 =	sadd.s32 s3, s5;
	[dreg:$0x0] =	wrdreg $0x0  }
0xa8: {  	s5 =	sshll.u32 s28, $0x1;
	[dreg:$0x2] =	wrdreg s3  }
0xa9: {  	[dreg:$0x3] =	wrdreg s5  }
0xaa: {  	[dreg:$0x4] =	wrdreg $0xC0  }
0xab: {  	_ =	task [dreg:s7], $0x5FFFF  }
0xac: {  	[dreg:$0x1] =	wrdreg $0xFFFFFFFF  }
0xad: {  	[dreg:$0x0] =	wrdreg $0x60  }
0xae: {  	[dreg:$0x2] =	wrdreg s2  }
0xaf: {  	[dreg:$0x3] =	wrdreg s24  }
0xb0: {  	[dreg:$0x4] =	wrdreg $0x0  }
0xb1: {  	[dreg:$0x5] =	wrdreg $0x9  }
0xb2: {  	_ =	task.clear_ibuf [dreg:s7], $0x6FFFF;
	_ =	strace $0x90000046  }
0xb3: {  	s29 =	simm.s32 $0x9;
	_ =	strace $0x80000048  }
0xb4: {  	_ =	swait.ge [sflag:s29], $0x1  }
0xb5: {  	[sflag:s29] =	ssyncadd.s32 $0xFFFFFFFF  }
0xb6: {  	_ =	strace $0x90000048  }
0xb7: {  	_ =	sfence  }
0xb8: {  	s30 =	sld [smem:$0x0];
	_ =	sdelay $0x2  }
0xb9: {  	s31 =	sshll.u32 s1, $0xD;
	s1 =	sshrl.u32 s1, $0x2  }
0xba: {  	s3 =	sand.u32 $0x4000, s31;
	s1 =	sadd.s32 s1, s30  }
0xbb: {  	s0 =	sor.u32 s3, s0;
	s1 =	sshll.u32 s1, $0x11  }
0xbc: {  	s0 =	sor.u32 s1, s0  }
0xbd: {  	s0 =	sadd.s32 $0x8F2B, s0  }
0xbe: {  	[sflag:s0] =	ssyncadd.remote.s32 $0x1  }
0xbf: {  	_ =	sfence.sel $0xFFFF  }
0xc0: {  	[dreg:$0x0] =	wrdreg $0xFFFFFFFF;
	(pc) =	sbr.abs _section_cstart, $3  }
0xc1: {  	[dreg:$0x1] =	wrdreg $0xFFFFFFFF  }
0xc2: {  	_ =	task.clear_ibuf [dreg:s7], $0x2FFFF;
	_ =	strace $0x9FFFFFFF  }
0xc3: {  	(tm) =	ssettm $0x7FFFFFFF  }
tec
execute0_lowered:
.L_overlay_start_1:
0x0: {  	(tag) =	ssettag $0x1  }
0x1: {  	s1 =	rddreg [dreg:$0x0]  }
0x2: {  	s2 =	srdreg.scid;
	s13 =	rddreg [dreg:$0x1]  }
0x3: {  	s0 =	stileid.u32;
	s3 =	rddreg [dreg:$0x2];
	s4 =	simm.s32 $0x0  }
0x4: {  	s18 =	simm.s32 $0x2;
	s19 =	simm.s32 $0x160C0;
	s22 =	simm.s32 $0x80  }
0x5: {  	s23 =	simm.s32 $0x188C0;
	s24 =	simm.s32 $0x1;
	s28 =	simm.s32 $0x0  }
0x6: {  	s10 =	sand.u32 $0x1, s2;
	s25 =	sshll.u32 s0, $0x1;
	[smem:$0x7FF] =	sst s4  }
0x7: {  	s11 =	smul.u32 $0x2700, s0;
	s14 =	sadd.s32 $0x3C000, s13;
	p4 =	sne.s32 s0, $0xF  }
0x8: {  	p0 =	seq.s32 s0, $0xF;
	s29 =	sadd.s32 $0x24900, s1;
	s15 =	smul.u32 $0x4E000, s0  }
0x9: {  	s9 =	sadd.s32 $0x3BF00, s13;
	s31 =	smul.u32 $0x13800, s0;
	s20 =	sshll.u32 s0, $0x6  }
0xa: {  	s5 =	sor.u32 s10, s25;
	_ =	strace $0x80000047;
	s6 =	ssub.s32 $0x2, s10  }
0xb: {  	p1 =	seq.s32 s10, $0x0;
	[dreg:$0x4] =	wrdreg s29;
	s17 =	smul.u32 $0x138800, s10  }
0xc: {  	s25 =	sadd.s32 $0x138800, s3;
	s20 =	sor.u32 $0x1C02, s20;
	s5 =	smul.u32 $0x500, s5  }
0xd: {  	s12 =	sadd.s32 s11, s13;
	s26 =	sshrl.u32 s6, $0x1;
	p2 =	por !p1, !p4  }
0xe: {  	p3 =	por !p1, !p0;
	s30 =	sshrl.u32 s15, $0x2;
	s11 =	sadd.s32 s1, s11  }
0xf: {  	s25 =	sshrl.u32 s25, $0x3;
	s16 =	ssub.s32 s6, s26;
	p1 =	por !p2, !p2  }
0x10: {  	p2 =	por !p3, !p3;
	p3 =	seq.s32 s10, $0x1;
	s10 =	sadd.s32 s30, s3  }
0x11: {  	s12 =	sadd.s32 $0x14E00, s12;
	s15 =	sadd.s32 s31, s17;
	s17 =	sshrl.u32 s17, $0x3  }
0x12: {  	s26 =	simm.s32 $0x1FC2;
	s7 =	sadd.s32 s5, s13;
	p4 =	por !p4, !p3  }
0x13: {  	s13 =	sadd.s32 $0x39700, s13;
	s15 =	sshrl.u32 s15, $0x3;
	s17 =	sadd.s32 s14, s17  }
0x14: {  	s16 =	smax.u32 s16, $0x1;
	s21 =	sshrl.u32 s10, $0x3;
	s5 =	sadd.s32 $0xAE00, s7  }
0x15: {  	s6 =	sadd.s32 $0xE00, s7;
	s7 =	sadd.s32 $0x124800, s3;
	p4 =	por !p4, !p4  }
0x16: {  	s14 =	sadd.s32 s14, s15;
	s15 =	sadd.s32 $0x24900, s17;
	s17 =	simm.s32 $0x138C0  }
.LBB2_1:
0x17: {  	[tilespmem:s17], [sflag:$0x2] =	stream.linear.gather [hbm4b:s5+s4], $0x2780, $0x38;
	[tilespmem:$0x1C8C0] =	vst v63  }
0x18: {  	_ =	swait.ge [sflag:s18], $0x2780  }
0x19: {  	[sflag:s18] =	ssyncset.done $0x0  }
.Ltmp0:
0x1a: {  	[sflag:s18] =	ssyncadd.s32 $0xFFFFD880;
	(pc) =	sbr.rel @!p1 .LBB2_4-.Ltmp0, $4  }
0x1b: {  	[tilespmem:s19], [sflag:$0x2] =	stream.linear.gather [hbm4b:s6+s4], $0x2780, $0x38;
	[tilespmem:$0x1C8C0] =	vst v63  }
0x1c: {  	_ =	swait.ge [sflag:s18], $0x2780  }
0x1d: {  	[sflag:s18] =	ssyncset.done $0x0  }
0x1e: {  	[sflag:s18] =	ssyncadd.s32 $0xFFFFD880  }
.Ltmp1:
0x1f: {  	(pc) =	sbr.rel .LBB2_3-.Ltmp1, $4  }
0x20: {  	[spmem:s21], [sflag:s20] =	dma.local [hbm:s11], $0x2700  }
0x21: {  	_ =	swait.ge [sflag:s18], $0x2700  }
0x22: {  	[sflag:s18] =	ssyncset.done $0x0  }
0x23: {  	p5 =	por $0x0, $0x0;
	[sflag:s18] =	ssyncadd.s32 $0xFFFFD900  }
.LBB2_4:
.Ltmp2:
0x24: {  	(pc) =	sbr.rel @!p2 .LBB2_3-.Ltmp2, $2  }
0x25: {  	_ =	sdelay $0x2  }
0x26: {  	p5 =	por p0, p0  }
0x27: {  	s29 =	sshrl.u32 s7, $0x3;
	s2 =	rddreg [dreg:$0x4]  }
0x28: {  	[spmem:s29], [sflag:s26] =	dma.local [hbm:s2], $0x2800  }
0x29: {  	_ =	swait.ge [sflag:s18], $0x2800  }
0x2a: {  	[sflag:s18] =	ssyncset.done $0x0  }
.Ltmp3:
0x2b: {  	[sflag:s18] =	ssyncadd.s32 $0xFFFFD800;
	(pc) =	sbr.rel .LBB2_6-.Ltmp3, $4  }
0x2c: {  	[spmem:s25], [sflag:s26] =	dma.local [hbm:s9], $0x80  }
0x2d: {  	_ =	swait.ge [sflag:s18], $0x80  }
0x2e: {  	[sflag:s18] =	ssyncset.done $0x0  }
0x2f: {  	p5 =	por $0x1, $0x1;
	[sflag:s18] =	ssyncadd.s32 $0xFFFFFF80  }
.LBB2_3:
0x30: {  	s29 =	sshll.u32 @p4 s0, $0x6;
	p6 =	por @p4 $0x1, $0x1  }
0x31: {  	s30 =	sshrl.u32 @p4 s10, $0x3;
	s29 =	sor.u32 @p4 $0x1C02, s29;
	p6 =	por @!p4 p3, p3  }
0x32: {  	[spmem:s30], [sflag:s29] =	dma.local @p4 [hbm:s12], $0x2700  }
0x33: {  	s29 =	simm.s32 @p4 $0x2;
	p6 =	por !p6, !p5  }
0x34: {  	_ =	swait.ge @p4 [sflag:s29], $0x2700;
	p6 =	por !p6, !p6  }
0x35: {  	[sflag:s29] =	ssyncset.done @p4 $0x0;
	s30 =	sshll.u32 @p6 s0, $0x6  }
0x36: {  	[sflag:s29] =	ssyncadd.s32 @p4 $0xFFFFD900;
	s29 =	sor.u32 @p6 $0x1C02, s30;
	s30 =	sshrl.u32 @p6 s7, $0x3  }
0x37: {  	[spmem:s30], [sflag:s29] =	dma.local @p6 [hbm:s13], $0x2880  }
0x38: {  	s29 =	simm.s32 @p6 $0x2  }
0x39: {  	_ =	swait.ge @p6 [sflag:s29], $0x2880  }
0x3a: {  	[sflag:s29] =	ssyncset.done @p6 $0x0  }
0x3b: {  	[sflag:s29] =	ssyncadd.s32 @p6 $0xFFFFD780  }
.LBB2_6:
0x3c: {  	[bflag:$0x0] =	sbarrier.arrive $0xFFFF;
	s29 =	simm.s32 $0x138C0  }
0x3d: {  	[tilespmem:s23], [sflag:$0x1] =	stream.indirect.gather [hbm4b:s1+s22], $0x80, s29, s22, $0xb8;
	[tilespmem:$0x1C8C0] =	vst v63  }
0x3e: {  	_ =	swait.ge [sflag:s24], $0x4000  }
0x3f: {  	[sflag:s24] =	ssyncset.done $0x0  }
0x40: {  	s29 =	simm.s32 $0x160C0;
	[sflag:s24] =	ssyncadd.s32 $0xFFFFC000  }
0x41: {  	[spmem:s3] =	stream.indirect.scatter.add.f32 [tilespmem:s23], [sflag:$0x2], $0x80, s29, s22, $0xb8;
	[tilespmem:$0x1C8C0] =	vst v63  }
0x42: {  	_ =	swait.ge [sflag:s18], $0x4000  }
0x43: {  	s30 =	simm.s32 $0x400;
	s29 =	simm.s32 $0x80;
	[sflag:s18] =	ssyncset.done $0x0  }
.LBB2_7:
0x44: {  	s31 =	sadd.s32 $0x138C0, s29  }
0x45: {  	[sflag:s18] =	ssyncadd.s32 $0xFFFFC000;
	s2 =	smov.u32 s30;
	s8 =	sadd.s32 $0x200, s30  }
0x46: {  	[tilespmem:s23], [sflag:$0x1] =	stream.indirect.gather [hbm4b:s1+s22], $0x80, s31, s22, $0xb8;
	[tilespmem:$0x1C8C0] =	vst v63  }
0x47: {  	p6 =	sne.s32 s30, $0x9C00;
	_ =	swait.ge [sflag:s24], $0x4000  }
.Ltmp4:
0x48: {  	[sflag:s24] =	ssyncset.done $0x0;
	(pc) =	sbr.rel @p6 .LBB2_7-.Ltmp4, $4  }
0x49: {  	s29 =	sadd.s32 $0x160C0, s29;
	[sflag:s24] =	ssyncadd.s32 $0xFFFFC000  }
0x4a: {  	[spmem:s3] =	stream.indirect.scatter.add.f32 [tilespmem:s23], [sflag:$0x2], $0x80, s29, s22, $0xb8;
	[tilespmem:$0x1C8C0] =	vst v63  }
0x4b: {  	_ =	swait.ge [sflag:s18], $0x4000  }
0x4c: {  	s30 =	smov.u32 s8;
	s29 =	sshra.s32 s2, $0x2;
	[sflag:s18] =	ssyncset.done $0x0  }
0x4d: {  	s2 =	sadd.s32 $0x138C0, s29;
	[sflag:s18] =	ssyncadd.s32 $0xFFFFC000  }
0x4e: {  	[tilespmem:s23], [sflag:$0x1] =	stream.indirect.gather [hbm4b:s1+s22], $0x80, s2, s22, $0xb8;
	[tilespmem:$0x1C8C0] =	vst v63  }
0x4f: {  	_ =	swait.ge [sflag:s24], $0x4000  }
0x50: {  	[sflag:s24] =	ssyncset.done $0x0  }
0x51: {  	s31 =	sadd.s32 $0x160C0, s29;
	[sflag:s24] =	ssyncadd.s32 $0xFFFFC000  }
0x52: {  	[spmem:s3] =	stream.indirect.scatter.add.f32 [tilespmem:s23], [sflag:$0x2], $0x80, s31, s22, $0xb8;
	[tilespmem:$0x1C8C0] =	vst v63  }
0x53: {  	_ =	swait.ge [sflag:s18], $0x4000  }
0x54: {  	[sflag:s18] =	ssyncset.done $0x0  }
0x55: {  	s2 =	sshll.u32 @!p0 s0, $0x6;
	[sflag:s18] =	ssyncadd.s32 $0xFFFFC000  }
0x56: {  	s8 =	sshrl.u32 @!p0 s10, $0x3;
	s2 =	sor.u32 @!p0 $0x1C02, s2;
	[bflag:$0x0] =	sbarrier.arrive $0xFFFF  }
0x57: {  	[hbm:s14], [sflag:s2] =	dma.local @!p0 [spmem:s8], $0x2700  }
0x58: {  	s2 =	simm.s32 @!p0 $0x2  }
0x59: {  	s28 =	sadd.s32 $0x1, s28;
	_ =	swait.ge @!p0 [sflag:s2], $0x2700  }
0x5a: {  	p6 =	sne.s32 s28, s16;
	s8 =	sshll.u32 @p5 s0, $0x6;
	[sflag:s2] =	ssyncset.done @!p0 $0x0  }
0x5b: {  	[sflag:s2] =	ssyncadd.s32 @!p0 $0xFFFFD900;
	s2 =	sor.u32 @p5 $0x1C02, s8;
	s8 =	sshrl.u32 @p5 s7, $0x3  }
0x5c: {  	[hbm:s15], [sflag:s2] =	dma.local @p5 [spmem:s8], $0x2800  }
.Ltmp5:
0x5d: {  	_ = 	snop;
	(pc) =	sbr.rel @p6 .LBB2_1-.Ltmp5, $4  }
0x5e: {  	s2 =	simm.s32 @p5 $0x2  }
0x5f: {  	_ =	swait.ge @p5 [sflag:s2], $0x2800  }
0x60: {  	[sflag:s2] =	ssyncset.done @p5 $0x0  }
0x61: {  	[sflag:s2] =	ssyncadd.s32 @p5 $0xFFFFD800  }
0x62: {  	_ =	sfence.sel $0x180000  }
0x63: {  	[bflag:$0x0] =	sbarrier.arrive $0xFFFF  }
0x64: {  	_ =	strace $0x90000047  }
0x65: {  	[bflag:$0x2] =	sbarrier.arrive $0xFFFF  }
0x66: {  	p0 =	sne.s32 s0, $0x0;
	s0 =	rddreg [dreg:$0x3]  }
0x67: {  	s0 =	sadd.s32 @!p0 $0x100000, s0  }
0x68: {  	[sflag:s0] =	ssyncadd.tile.s32 @!p0 $0x1;
	_ =	shalt  }
.Lfunc_end2:
_tile_overlayer_lowered:
.L_overlay_start_2:
0x69: {  	(tag) =	ssettag $0x2  }
0x6a: {  	s0 =	rddreg [dreg:$0x0];
	s2 =	stileid.u32  }
0x6b: {  	s1 =	rddreg [dreg:$0x1];
	p0 =	sne.s32 s2, $0x0  }
0x6c: {  	s3 =	rddreg [dreg:$0x2];
	[bflag:$0x3] =	sbarrier.arrive $0xFFFF;
	s2 =	simm.s32 @!p0 $0x1C02  }
0x6d: {  	[timem:s3], [sflag:s2] =	dma.local @!p0 [hbm:s0], s1  }
0x6e: {  	s0 =	simm.s32 @!p0 $0x2  }
0x6f: {  	_ =	swait.ge @!p0 [sflag:s0], s1  }
0x70: {  	s1 =	ssub.s32 @!p0 $0x0, s1;
	[sflag:s0] =	ssyncset.done @!p0 $0x0  }
0x71: {  	[sflag:s0] =	ssyncadd.s32 @!p0 s1  }
0x72: {  	[bflag:$0x3] =	sbarrier.arrive $0xFFFF  }
0x73: {  	_ =	shalt  }

// kernel: kernel.9.cloned.1.call-start
scs
__scs_entry_jumppad:
0x0: {  	(pc) =	sbr.rel $0x88, $3  }
0x1: {  	(tag) =	ssettag $0x0;
	lr =	simm.s32 $0x1  }
0x2: {  	[smem:$0x3F99] =	sst lr;
	_ =	strace $0xD0000000  }
0x3: {  	_ = 	snop  }
0x4: {  	_ = 	snop  }
0x5: {  	_ = 	snop  }
0x6: {  	_ = 	snop  }
0x7: {  	_ = 	snop  }
__scs_overlays_trampoline_lowered:
0x8: {  	[smem:$0x3FA8] =	sst s0  }
0x9: {  	[smem:$0x3FA9] =	sst s1  }
0xa: {  	[smem:$0x3FAA] =	sst s2  }
0xb: {  	[smem:$0x3FAB] =	sst s3  }
0xc: {  	[smem:$0x3FAC] =	sst s4  }
0xd: {  	[smem:$0x3FAD] =	sst s5  }
0xe: {  	[smem:$0x3FAE] =	sst s6  }
0xf: {  	[smem:$0x3FAF] =	sst s7  }
0x10: {  	[smem:$0x3FB0] =	sst s8  }
0x11: {  	[smem:$0x3FB1] =	sst s9;
	s0 =	simm.s32 @!p0 $0x0  }
0x12: {  	s1 =	sld [smem:$0x3F97];
	s0 =	simm.s32 @p0 $0x1  }
0x13: {  	[smem:$0x3FB2] =	sst s0;
	s0 =	simm.s32 @!p1 $0x0  }
0x14: {  	s2 =	sld [smem:$0x3F96];
	s0 =	simm.s32 @p1 $0x1  }
0x15: {  	[smem:$0x3FB3] =	sst s0;
	s0 =	simm.s32 @!p2 $0x0  }
0x16: {  	s3 =	sld [smem:$0x3FDB];
	s0 =	simm.s32 @p2 $0x1  }
0x17: {  	s4 =	simm.s32 $0x1BF5;
	[smem:$0x3FB5] =	sst s0  }
0x18: {  	s0 =	sld [smem:$0x3F98];
	_ =	swait.ge [sflag:s4], $0x0  }
0x19: {  	s7 =	sld [smem:$0x3F99]  }
0x1a: {  	s8 =	sadd.s32 $0xFFFFE003, lr  }
0x1b: {  	s9 =	sadd.s32 $0xFFFFFEF7, lr;
	s5 =	simm.s32 $0xFFFFFFFF;
	p2 =	slt.u32 s8, $0xFFFFF086  }
0x1c: {  	p1 =	slt.u32 s9, $0xF7A;
	s5 =	simm.s32 @!p2 $0x0  }
0x1d: {  	s5 =	simm.s32 @p1 $0x1;
	p0 =	seq.s32 s7, s2  }
0x1e: {  	s7 =	smul.u32 @!p0 $0xF7A, s2;
	p2 =	seq.s32 @!p0 s5, $0x0  }
0x1f: {  	s9 =	smul.u32 $0xF7A, s1;
	s8 =	simm.s32 @!p0 $0x1BF5;
	p2 =	por !p2, p0  }
0x20: {  	[sflag:s8] =	ssyncset.s32 @!p0 $0xFFFFF086;
	s6 =	sadd.s32 @!p0 s3, s7;
	s7 =	simm.s32 @!p0 $0x108  }
0x21: {  	s3 =	sadd.s32 s3, s9;
	s6 =	sadd.s32 @!p0 $0x88, s6;
	s7 =	simm.s32 @p2 $0x1082  }
0x22: {  	[simem:s7], [sflag:s8] =	dma.local @!p0 [hbm:s6], $0xF7A  }
0x23: {  	s9 =	sor.u32 $0xD0000000, s2;
	s6 =	simm.s32 $0x108;
	_ =	swait.ge @!p0 [sflag:s8], $0x0  }
0x24: {  	s3 =	sadd.s32 $0x88, s3;
	s6 =	simm.s32 @!p1 $0x1082;
	[sflag:s4] =	ssyncset.s32 $0xFFFFF086  }
0x25: {  	[simem:s6], [sflag:s4] =	dma.local [hbm:s3], $0xF7A  }
0x26: {  	[smem:$0x3F99] =	sst s1;
	(tag) =	ssettag s2;
	_ =	strace s9  }
0x27: {  	s1 =	sld [smem:$0x3FA9]  }
0x28: {  	s2 =	sld [smem:$0x3FAA]  }
0x29: {  	s4 =	sld [smem:$0x3FAC]  }
0x2a: {  	p0 =	seq.s32 s5, $0x0;
	s5 =	sld [smem:$0x3FAD]  }
0x2b: {  	s6 =	sld [smem:$0x3FAE]  }
0x2c: {  	s7 =	sld [smem:$0x3FAF]  }
0x2d: {  	s3 =	simm.s32 $0x108;
	s8 =	sld [smem:$0x3FB0]  }
0x2e: {  	s3 =	simm.s32 @!p0 $0x1082;
	s9 =	sld [smem:$0x3FB1]  }
0x2f: {  	lr =	sadd.s32 s0, s3;
	s0 =	sld [smem:$0x3FA8]  }
0x30: {  	s3 =	sld [smem:$0x3FAB]  }
0x31: {  	[smem:$0x3FB4] =	sst s10  }
0x32: {  	s10 =	sld [smem:$0x3FB2];
	_ =	sdelay $0x3  }
0x33: {  	p0 =	seq.s32 s10, $0x1;
	s10 =	sld [smem:$0x3FB4];
	_ =	sdelay $0x3  }
0x34: {  	[smem:$0x3FB4] =	sst s10  }
0x35: {  	s10 =	sld [smem:$0x3FB3];
	_ =	sdelay $0x3  }
0x36: {  	p1 =	seq.s32 s10, $0x1;
	s10 =	sld [smem:$0x3FB4];
	_ =	sdelay $0x3  }
0x37: {  	[smem:$0x3FB4] =	sst s10  }
0x38: {  	s10 =	sld [smem:$0x3FB5]  }
0x39: {  	_ = 	snop;
	(pc) =	sbr.ind lr, $3  }
0x3a: {  	_ = 	snop  }
0x3b: {  	_ = 	snop  }
0x3c: {  	p2 =	seq.s32 s10, $0x1;
	s10 =	sld [smem:$0x3FB4]  }
0x3d: {  	_ =	shalt  }
0x3e: {  	_ =	shalt  }
0x3f: {  	_ =	shalt  }
0x40: {  	_ =	shalt  }
0x41: {  	_ =	shalt  }
0x42: {  	_ =	shalt  }
0x43: {  	_ =	shalt  }
0x44: {  	_ =	shalt  }
0x45: {  	_ =	shalt  }
0x46: {  	_ =	shalt  }
0x47: {  	_ =	shalt  }
0x48: {  	_ =	shalt  }
0x49: {  	_ =	shalt  }
0x4a: {  	_ =	shalt  }
0x4b: {  	_ =	shalt  }
0x4c: {  	_ =	shalt  }
0x4d: {  	_ =	shalt  }
0x4e: {  	_ =	shalt  }
0x4f: {  	_ =	shalt  }
0x50: {  	_ =	shalt  }
0x51: {  	_ =	shalt  }
0x52: {  	_ =	shalt  }
0x53: {  	_ =	shalt  }
0x54: {  	_ =	shalt  }
0x55: {  	_ =	shalt  }
0x56: {  	_ =	shalt  }
0x57: {  	_ =	shalt  }
0x58: {  	_ =	shalt  }
0x59: {  	_ =	shalt  }
0x5a: {  	_ =	shalt  }
0x5b: {  	_ =	shalt  }
0x5c: {  	_ =	shalt  }
0x5d: {  	_ =	shalt  }
0x5e: {  	_ =	shalt  }
0x5f: {  	_ =	shalt  }
0x60: {  	_ =	shalt  }
0x61: {  	_ =	shalt  }
0x62: {  	_ =	shalt  }
0x63: {  	_ =	shalt  }
0x64: {  	_ =	shalt  }
0x65: {  	_ =	shalt  }
0x66: {  	_ =	shalt  }
0x67: {  	_ =	shalt  }
0x68: {  	_ =	shalt  }
0x69: {  	_ =	shalt  }
0x6a: {  	_ =	shalt  }
0x6b: {  	_ =	shalt  }
0x6c: {  	_ =	shalt  }
0x6d: {  	_ =	shalt  }
0x6e: {  	_ =	shalt  }
0x6f: {  	_ =	shalt  }
0x70: {  	_ =	shalt  }
0x71: {  	_ =	shalt  }
0x72: {  	_ =	shalt  }
0x73: {  	_ =	shalt  }
0x74: {  	_ =	shalt  }
0x75: {  	_ =	shalt  }
0x76: {  	_ =	shalt  }
0x77: {  	_ =	shalt  }
0x78: {  	_ =	shalt  }
0x79: {  	_ =	shalt  }
0x7a: {  	_ =	shalt  }
0x7b: {  	_ =	shalt  }
0x7c: {  	_ =	shalt  }
0x7d: {  	_ =	shalt  }
0x7e: {  	_ =	shalt  }
0x7f: {  	_ =	shalt  }
0x80: {  	_ =	shalt  }
0x81: {  	_ =	shalt  }
0x82: {  	_ =	shalt  }
0x83: {  	_ =	shalt  }
0x84: {  	_ =	shalt  }
0x85: {  	_ =	shalt  }
0x86: {  	_ =	shalt  }
0x87: {  	_ =	shalt  }
.Lfunc_end0:
.L_simem_size_0:
called_computation.1_lowered:
.L_overlay_start_0:
0x88: {  	s2 =	sld [smem:$0x3FD9]  }
0x89: {  	s3 =	sld [smem:$0x3FFE];
	_ =	sdelay $0x1  }
0x8a: {  	s1 =	srdreg.scid  }
0x8b: {  	s0 =	sand.u32 $0x1, s1  }
0x8c: {  	s17 =	sshll.u32 s0, $0xA;
	s2 =	sadd.s32 s3, s2  }
0x8d: {  	s2 =	sadd.s32 s2, s17  }
0x8e: {  	[smem:$0x3FC0] =	sst s2  }
0x8f: {  	_ = 	snop  }
0x90: {  	s2 =	sld [smem:$0x3FD0];
	(tm) =	ssettm $0x1  }
0x91: {  	s18 =	sld [smem:$0x3FFB];
	_ =	sdelay $0x3  }
0x92: {  	_ =	strace s18  }
0x93: {  	s3 =	sld [smem:$0x3FFC];
	_ =	sdelay $0x3  }
0x94: {  	_ =	strace s3  }
0x95: {  	s3 =	sld [smem:$0x3FFD];
	_ =	sdelay $0x3  }
0x96: {  	_ =	strace s3  }
0x97: {  	_ =	strace $0x8FFFFFFF  }
0x98: {  	s19 =	sld [smem:$0x3FDB];
	_ =	sdelay $0x1  }
0x99: {  	s4 =	simm.s32 $_scs_section_size  }
0x9a: {  	s5 =	simm.s32 $_size__tile_overlayer_lowered;
	s6 =	simm.s32 $_tile_overlayer_lowered  }
0x9b: {  	s22 =	simm.s32 $0x1BFF;
	s21 =	sshll.u32 s6, $0x1;
	s3 =	sadd.s32 s4, s19  }
0x9c: {  	s7 =	simm.s32 $0x0;
	s20 =	sshll.u32 s5, $0x1;
	s5 =	sadd.s32 s21, s3  }
0x9d: {  	[timem:s7], [sflag:s22] =	dma.local [hbm:s5], s20  }
0x9e: {  	_ =	swait.ge [sflag:s22], s20  }
0x9f: {  	s4 =	ssub.s32 $0x0, s20;
	[sflag:s22] =	ssyncset.done $0x0  }
0xa0: {  	[sflag:s22] =	ssyncadd.s32 s4;
	_ =	sdelay $0x1  }
0xa1: {  	s23 =	simm.s32 $0x1B8B  }
0xa2: {  	_ =	swait.ge [sflag:s23], $0x1  }
0xa3: {  	[sflag:s23] =	ssyncset.done $0x0  }
0xa4: {  	s25 =	simm.s32 $0x1B8E;
	s24 =	sld [smem:$0x3FFE];
	[sflag:s23] =	ssyncadd.s32 $0xFFFFFFFF  }
0xa5: {  	s26 =	simm.s32 $execute0_lowered;
	[smem:$0x3FD2] =	sst s25  }
0xa6: {  	s5 =	sshll.u32 s26, $0x1;
	_ =	strace $0x80000049;
	[dreg:$0x1] =	wrdreg $0xFFFFFFFF  }
0xa7: {  	s28 =	simm.s32 $_size_execute0_lowered;
	s3 =	sadd.s32 s3, s5;
	[dreg:$0x0] =	wrdreg $0x0  }
0xa8: {  	s5 =	sshll.u32 s28, $0x1;
	[dreg:$0x2] =	wrdreg s3  }
0xa9: {  	[dreg:$0x3] =	wrdreg s5  }
0xaa: {  	[dreg:$0x4] =	wrdreg $0xC0  }
0xab: {  	_ =	task [dreg:s7], $0x5FFFF  }
0xac: {  	[dreg:$0x1] =	wrdreg $0xFFFFFFFF  }
0xad: {  	[dreg:$0x0] =	wrdreg $0x60  }
0xae: {  	[dreg:$0x2] =	wrdreg s2  }
0xaf: {  	[dreg:$0x3] =	wrdreg s24  }
0xb0: {  	[dreg:$0x4] =	wrdreg $0x0  }
0xb1: {  	[dreg:$0x5] =	wrdreg $0x9  }
0xb2: {  	_ =	task.clear_ibuf [dreg:s7], $0x6FFFF;
	_ =	strace $0x90000049  }
0xb3: {  	s29 =	simm.s32 $0x9;
	_ =	strace $0x8000004B  }
0xb4: {  	_ =	swait.ge [sflag:s29], $0x1  }
0xb5: {  	[sflag:s29] =	ssyncadd.s32 $0xFFFFFFFF  }
0xb6: {  	_ =	strace $0x9000004B  }
0xb7: {  	_ =	sfence  }
0xb8: {  	s30 =	sld [smem:$0x0];
	_ =	sdelay $0x2  }
0xb9: {  	s31 =	sshll.u32 s1, $0xD;
	s1 =	sshrl.u32 s1, $0x2  }
0xba: {  	s3 =	sand.u32 $0x4000, s31;
	s1 =	sadd.s32 s1, s30  }
0xbb: {  	s0 =	sor.u32 s3, s0;
	s1 =	sshll.u32 s1, $0x11  }
0xbc: {  	s0 =	sor.u32 s1, s0  }
0xbd: {  	s0 =	sadd.s32 $0x8F2B, s0  }
0xbe: {  	[sflag:s0] =	ssyncadd.remote.s32 $0x1  }
0xbf: {  	_ =	sfence.sel $0xFFFF  }
0xc0: {  	[dreg:$0x0] =	wrdreg $0xFFFFFFFF;
	(pc) =	sbr.abs _section_cstart, $3  }
0xc1: {  	[dreg:$0x1] =	wrdreg $0xFFFFFFFF  }
0xc2: {  	_ =	task.clear_ibuf [dreg:s7], $0x2FFFF;
	_ =	strace $0x9FFFFFFF  }
0xc3: {  	(tm) =	ssettm $0x7FFFFFFF  }
tec
execute0_lowered:
.L_overlay_start_1:
0x0: {  	(tag) =	ssettag $0x1  }
0x1: {  	s1 =	rddreg [dreg:$0x0]  }
0x2: {  	s2 =	srdreg.scid;
	s13 =	rddreg [dreg:$0x1]  }
0x3: {  	s0 =	stileid.u32;
	s3 =	rddreg [dreg:$0x2];
	s4 =	simm.s32 $0x0  }
0x4: {  	s18 =	simm.s32 $0x2;
	s19 =	simm.s32 $0x160C0;
	s22 =	simm.s32 $0x80  }
0x5: {  	s23 =	simm.s32 $0x188C0;
	s24 =	simm.s32 $0x1;
	s28 =	simm.s32 $0x0  }
0x6: {  	s10 =	sand.u32 $0x1, s2;
	s25 =	sshll.u32 s0, $0x1;
	[smem:$0x7FF] =	sst s4  }
0x7: {  	s11 =	smul.u32 $0x2700, s0;
	s14 =	sadd.s32 $0x3C000, s13;
	p4 =	sne.s32 s0, $0xF  }
0x8: {  	p0 =	seq.s32 s0, $0xF;
	s29 =	sadd.s32 $0x24900, s1;
	s15 =	smul.u32 $0x4E000, s0  }
0x9: {  	s9 =	sadd.s32 $0x3BF00, s13;
	s31 =	smul.u32 $0x13800, s0;
	s20 =	sshll.u32 s0, $0x6  }
0xa: {  	s5 =	sor.u32 s10, s25;
	_ =	strace $0x8000004A;
	s6 =	ssub.s32 $0x2, s10  }
0xb: {  	p1 =	seq.s32 s10, $0x0;
	[dreg:$0x4] =	wrdreg s29;
	s17 =	smul.u32 $0x138800, s10  }
0xc: {  	s25 =	sadd.s32 $0x138800, s3;
	s20 =	sor.u32 $0x1C02, s20;
	s5 =	smul.u32 $0x500, s5  }
0xd: {  	s12 =	sadd.s32 s11, s13;
	s26 =	sshrl.u32 s6, $0x1;
	p2 =	por !p1, !p4  }
0xe: {  	p3 =	por !p1, !p0;
	s30 =	sshrl.u32 s15, $0x2;
	s11 =	sadd.s32 s1, s11  }
0xf: {  	s25 =	sshrl.u32 s25, $0x3;
	s16 =	ssub.s32 s6, s26;
	p1 =	por !p2, !p2  }
0x10: {  	p2 =	por !p3, !p3;
	p3 =	seq.s32 s10, $0x1;
	s10 =	sadd.s32 s30, s3  }
0x11: {  	s12 =	sadd.s32 $0x14E00, s12;
	s15 =	sadd.s32 s31, s17;
	s17 =	sshrl.u32 s17, $0x3  }
0x12: {  	s26 =	simm.s32 $0x1FC2;
	s7 =	sadd.s32 s5, s13;
	p4 =	por !p4, !p3  }
0x13: {  	s13 =	sadd.s32 $0x39700, s13;
	s15 =	sshrl.u32 s15, $0x3;
	s17 =	sadd.s32 s14, s17  }
0x14: {  	s16 =	smax.u32 s16, $0x1;
	s21 =	sshrl.u32 s10, $0x3;
	s5 =	sadd.s32 $0xAE00, s7  }
0x15: {  	s6 =	sadd.s32 $0xE00, s7;
	s7 =	sadd.s32 $0x124800, s3;
	p4 =	por !p4, !p4  }
0x16: {  	s14 =	sadd.s32 s14, s15;
	s15 =	sadd.s32 $0x24900, s17;
	s17 =	simm.s32 $0x138C0  }
.LBB2_1:
0x17: {  	[tilespmem:s17], [sflag:$0x2] =	stream.linear.gather [hbm4b:s5+s4], $0x2780, $0x38;
	[tilespmem:$0x1C8C0] =	vst v63  }
0x18: {  	_ =	swait.ge [sflag:s18], $0x2780  }
0x19: {  	[sflag:s18] =	ssyncset.done $0x0  }
.Ltmp0:
0x1a: {  	[sflag:s18] =	ssyncadd.s32 $0xFFFFD880;
	(pc) =	sbr.rel @!p1 .LBB2_4-.Ltmp0, $4  }
0x1b: {  	[tilespmem:s19], [sflag:$0x2] =	stream.linear.gather [hbm4b:s6+s4], $0x2780, $0x38;
	[tilespmem:$0x1C8C0] =	vst v63  }
0x1c: {  	_ =	swait.ge [sflag:s18], $0x2780  }
0x1d: {  	[sflag:s18] =	ssyncset.done $0x0  }
0x1e: {  	[sflag:s18] =	ssyncadd.s32 $0xFFFFD880  }
.Ltmp1:
0x1f: {  	(pc) =	sbr.rel .LBB2_3-.Ltmp1, $4  }
0x20: {  	[spmem:s21], [sflag:s20] =	dma.local [hbm:s11], $0x2700  }
0x21: {  	_ =	swait.ge [sflag:s18], $0x2700  }
0x22: {  	[sflag:s18] =	ssyncset.done $0x0  }
0x23: {  	p5 =	por $0x0, $0x0;
	[sflag:s18] =	ssyncadd.s32 $0xFFFFD900  }
.LBB2_4:
.Ltmp2:
0x24: {  	(pc) =	sbr.rel @!p2 .LBB2_3-.Ltmp2, $2  }
0x25: {  	_ =	sdelay $0x2  }
0x26: {  	p5 =	por p0, p0  }
0x27: {  	s29 =	sshrl.u32 s7, $0x3;
	s2 =	rddreg [dreg:$0x4]  }
0x28: {  	[spmem:s29], [sflag:s26] =	dma.local [hbm:s2], $0x2800  }
0x29: {  	_ =	swait.ge [sflag:s18], $0x2800  }
0x2a: {  	[sflag:s18] =	ssyncset.done $0x0  }
.Ltmp3:
0x2b: {  	[sflag:s18] =	ssyncadd.s32 $0xFFFFD800;
	(pc) =	sbr.rel .LBB2_6-.Ltmp3, $4  }
0x2c: {  	[spmem:s25], [sflag:s26] =	dma.local [hbm:s9], $0x80  }
0x2d: {  	_ =	swait.ge [sflag:s18], $0x80  }
0x2e: {  	[sflag:s18] =	ssyncset.done $0x0  }
0x2f: {  	p5 =	por $0x1, $0x1;
	[sflag:s18] =	ssyncadd.s32 $0xFFFFFF80  }
.LBB2_3:
0x30: {  	s29 =	sshll.u32 @p4 s0, $0x6;
	p6 =	por @p4 $0x1, $0x1  }
0x31: {  	s30 =	sshrl.u32 @p4 s10, $0x3;
	s29 =	sor.u32 @p4 $0x1C02, s29;
	p6 =	por @!p4 p3, p3  }
0x32: {  	[spmem:s30], [sflag:s29] =	dma.local @p4 [hbm:s12], $0x2700  }
0x33: {  	s29 =	simm.s32 @p4 $0x2;
	p6 =	por !p6, !p5  }
0x34: {  	_ =	swait.ge @p4 [sflag:s29], $0x2700;
	p6 =	por !p6, !p6  }
0x35: {  	[sflag:s29] =	ssyncset.done @p4 $0x0;
	s30 =	sshll.u32 @p6 s0, $0x6  }
0x36: {  	[sflag:s29] =	ssyncadd.s32 @p4 $0xFFFFD900;
	s29 =	sor.u32 @p6 $0x1C02, s30;
	s30 =	sshrl.u32 @p6 s7, $0x3  }
0x37: {  	[spmem:s30], [sflag:s29] =	dma.local @p6 [hbm:s13], $0x2880  }
0x38: {  	s29 =	simm.s32 @p6 $0x2  }
0x39: {  	_ =	swait.ge @p6 [sflag:s29], $0x2880  }
0x3a: {  	[sflag:s29] =	ssyncset.done @p6 $0x0  }
0x3b: {  	[sflag:s29] =	ssyncadd.s32 @p6 $0xFFFFD780  }
.LBB2_6:
0x3c: {  	[bflag:$0x0] =	sbarrier.arrive $0xFFFF;
	s29 =	simm.s32 $0x138C0  }
0x3d: {  	[tilespmem:s23], [sflag:$0x1] =	stream.indirect.gather [hbm4b:s1+s22], $0x80, s29, s22, $0xb8;
	[tilespmem:$0x1C8C0] =	vst v63  }
0x3e: {  	_ =	swait.ge [sflag:s24], $0x4000  }
0x3f: {  	[sflag:s24] =	ssyncset.done $0x0  }
0x40: {  	s29 =	simm.s32 $0x160C0;
	[sflag:s24] =	ssyncadd.s32 $0xFFFFC000  }
0x41: {  	[spmem:s3] =	stream.indirect.scatter.add.f32 [tilespmem:s23], [sflag:$0x2], $0x80, s29, s22, $0xb8;
	[tilespmem:$0x1C8C0] =	vst v63  }
0x42: {  	_ =	swait.ge [sflag:s18], $0x4000  }
0x43: {  	s30 =	simm.s32 $0x400;
	s29 =	simm.s32 $0x80;
	[sflag:s18] =	ssyncset.done $0x0  }
.LBB2_7:
0x44: {  	s31 =	sadd.s32 $0x138C0, s29  }
0x45: {  	[sflag:s18] =	ssyncadd.s32 $0xFFFFC000;
	s2 =	smov.u32 s30;
	s8 =	sadd.s32 $0x200, s30  }
0x46: {  	[tilespmem:s23], [sflag:$0x1] =	stream.indirect.gather [hbm4b:s1+s22], $0x80, s31, s22, $0xb8;
	[tilespmem:$0x1C8C0] =	vst v63  }
0x47: {  	p6 =	sne.s32 s30, $0x9C00;
	_ =	swait.ge [sflag:s24], $0x4000  }
.Ltmp4:
0x48: {  	[sflag:s24] =	ssyncset.done $0x0;
	(pc) =	sbr.rel @p6 .LBB2_7-.Ltmp4, $4  }
0x49: {  	s29 =	sadd.s32 $0x160C0, s29;
	[sflag:s24] =	ssyncadd.s32 $0xFFFFC000  }
0x4a: {  	[spmem:s3] =	stream.indirect.scatter.add.f32 [tilespmem:s23], [sflag:$0x2], $0x80, s29, s22, $0xb8;
	[tilespmem:$0x1C8C0] =	vst v63  }
0x4b: {  	_ =	swait.ge [sflag:s18], $0x4000  }
0x4c: {  	s30 =	smov.u32 s8;
	s29 =	sshra.s32 s2, $0x2;
	[sflag:s18] =	ssyncset.done $0x0  }
0x4d: {  	s2 =	sadd.s32 $0x138C0, s29;
	[sflag:s18] =	ssyncadd.s32 $0xFFFFC000  }
0x4e: {  	[tilespmem:s23], [sflag:$0x1] =	stream.indirect.gather [hbm4b:s1+s22], $0x80, s2, s22, $0xb8;
	[tilespmem:$0x1C8C0] =	vst v63  }
0x4f: {  	_ =	swait.ge [sflag:s24], $0x4000  }
0x50: {  	[sflag:s24] =	ssyncset.done $0x0  }
0x51: {  	s31 =	sadd.s32 $0x160C0, s29;
	[sflag:s24] =	ssyncadd.s32 $0xFFFFC000  }
0x52: {  	[spmem:s3] =	stream.indirect.scatter.add.f32 [tilespmem:s23], [sflag:$0x2], $0x80, s31, s22, $0xb8;
	[tilespmem:$0x1C8C0] =	vst v63  }
0x53: {  	_ =	swait.ge [sflag:s18], $0x4000  }
0x54: {  	[sflag:s18] =	ssyncset.done $0x0  }
0x55: {  	s2 =	sshll.u32 @!p0 s0, $0x6;
	[sflag:s18] =	ssyncadd.s32 $0xFFFFC000  }
0x56: {  	s8 =	sshrl.u32 @!p0 s10, $0x3;
	s2 =	sor.u32 @!p0 $0x1C02, s2;
	[bflag:$0x0] =	sbarrier.arrive $0xFFFF  }
0x57: {  	[hbm:s14], [sflag:s2] =	dma.local @!p0 [spmem:s8], $0x2700  }
0x58: {  	s2 =	simm.s32 @!p0 $0x2  }
0x59: {  	s28 =	sadd.s32 $0x1, s28;
	_ =	swait.ge @!p0 [sflag:s2], $0x2700  }
0x5a: {  	p6 =	sne.s32 s28, s16;
	s8 =	sshll.u32 @p5 s0, $0x6;
	[sflag:s2] =	ssyncset.done @!p0 $0x0  }
0x5b: {  	[sflag:s2] =	ssyncadd.s32 @!p0 $0xFFFFD900;
	s2 =	sor.u32 @p5 $0x1C02, s8;
	s8 =	sshrl.u32 @p5 s7, $0x3  }
0x5c: {  	[hbm:s15], [sflag:s2] =	dma.local @p5 [spmem:s8], $0x2800  }
.Ltmp5:
0x5d: {  	_ = 	snop;
	(pc) =	sbr.rel @p6 .LBB2_1-.Ltmp5, $4  }
0x5e: {  	s2 =	simm.s32 @p5 $0x2  }
0x5f: {  	_ =	swait.ge @p5 [sflag:s2], $0x2800  }
0x60: {  	[sflag:s2] =	ssyncset.done @p5 $0x0  }
0x61: {  	[sflag:s2] =	ssyncadd.s32 @p5 $0xFFFFD800  }
0x62: {  	_ =	sfence.sel $0x180000  }
0x63: {  	[bflag:$0x0] =	sbarrier.arrive $0xFFFF  }
0x64: {  	_ =	strace $0x9000004A  }
0x65: {  	[bflag:$0x2] =	sbarrier.arrive $0xFFFF  }
0x66: {  	p0 =	sne.s32 s0, $0x0;
	s0 =	rddreg [dreg:$0x3]  }
0x67: {  	s0 =	sadd.s32 @!p0 $0x100000, s0  }
0x68: {  	[sflag:s0] =	ssyncadd.tile.s32 @!p0 $0x1;
	_ =	shalt  }
.Lfunc_end2:
_tile_overlayer_lowered:
.L_overlay_start_2:
0x69: {  	(tag) =	ssettag $0x2  }
0x6a: {  	s0 =	rddreg [dreg:$0x0];
	s2 =	stileid.u32  }
0x6b: {  	s1 =	rddreg [dreg:$0x1];
	p0 =	sne.s32 s2, $0x0  }
0x6c: {  	s3 =	rddreg [dreg:$0x2];
	[bflag:$0x3] =	sbarrier.arrive $0xFFFF;
	s2 =	simm.s32 @!p0 $0x1C02  }
0x6d: {  	[timem:s3], [sflag:s2] =	dma.local @!p0 [hbm:s0], s1  }
0x6e: {  	s0 =	simm.s32 @!p0 $0x2  }
0x6f: {  	_ =	swait.ge @!p0 [sflag:s0], s1  }
0x70: {  	s1 =	ssub.s32 @!p0 $0x0, s1;
	[sflag:s0] =	ssyncset.done @!p0 $0x0  }
0x71: {  	[sflag:s0] =	ssyncadd.s32 @!p0 s1  }
0x72: {  	[bflag:$0x3] =	sbarrier.arrive $0xFFFF  }
0x73: {  	_ =	shalt  }

</sc_bundles>
